<compile_context>
chip_gen: v7x
topology: tpu7x:2x2x1
jax: 0.10.2.dev20260603
libtpu: 0.0.44.dev20260713+nightly
codegen_flags: <defaults>
</compile_context>

<pallas_src>
import functools

import jax
import jax.numpy as jnp
from jax import lax
from jax.experimental import pallas as pl
from jax.experimental.pallas import tpu as pltpu
from jax.experimental.pallas import tpu_sc as plsc

_NUM_BASIS = 8
_R_MAX = 6.0
_NC = 2
_NS = 16
_NW = _NC * _NS
_CHUNK = 2048

_HALF_PI = 1.5707963267948966
_PREF = 2.0 / _R_MAX


def _rsqrt(s):
    si = plsc.bitcast(s, jnp.int32)
    yi = jnp.int32(0x5F3759DF) - lax.shift_right_logical(si, 1)
    y = plsc.bitcast(yi, jnp.float32)
    for _ in range(2):
        y = y * (1.5 - 0.5 * s * y * y)
    return y


def _basis_block(xi, yi, zi, xj, yj, zj, sx, sy, sz):
    dx = xi + sx - xj
    dy = yi + sy - yj
    dz = zi + sz - zj
    s = dx * dx + dy * dy + dz * dz
    invx = _rsqrt(s)
    x = s * invx
    inside = s < (_R_MAX * _R_MAX)
    u = jnp.minimum(x * (1.0 / _R_MAX), 1.0)
    t = u * _HALF_PI
    t2 = t * t
    sh = t * (1.0 + t2 * (-1.0 / 6.0 + t2 * (1.0 / 120.0
         + t2 * (-1.0 / 5040.0 + t2 * (1.0 / 362880.0)))))
    ch = 1.0 + t2 * (-0.5 + t2 * (1.0 / 24.0 + t2 * (-1.0 / 720.0
         + t2 * (1.0 / 40320.0 + t2 * (-1.0 / 3628800.0)))))
    s1 = 2.0 * sh * ch
    c1 = 1.0 - 2.0 * sh * sh
    tc = 2.0 * c1
    u2 = u * u
    u6 = u2 * u2 * u2
    cut = 1.0 + u6 * (-28.0 + u * (48.0 - 21.0 * u))
    f = jnp.where(inside, cut * invx * _PREF, 0.0)
    return f, tc, s1


def _make_reformat_kernel(n_edges):
    w = 6400
    n_chunks = n_edges // w
    k_max = -(-n_chunks // _NW)
    flat = jax.ShapeDtypeStruct((n_edges,), jnp.int32)
    mesh = plsc.VectorSubcoreMesh(core_axis_name="c", subcore_axis_name="s")

    @functools.partial(
        pl.kernel,
        out_type=(flat, flat),
        mesh=mesh,
        scratch_types=[
            pltpu.VMEM((w,), jnp.int32),
            pltpu.VMEM((w,), jnp.int32),
        ],
        compiler_params=pltpu.CompilerParams(needs_layout_passes=False),
    )
    def reformat_kernel(eidx_hbm, ej_hbm, ei_hbm, bufj_v, bufi_v):
        wid = lax.axis_index("s") * _NC + lax.axis_index("c")

        def chunk_body(k, _):
            ck = wid + k * _NW

            @pl.when(ck < n_chunks)
            def _():
                base = ck * w
                pltpu.sync_copy(eidx_hbm.at[0, pl.ds(base, w)], bufj_v)
                pltpu.sync_copy(eidx_hbm.at[1, pl.ds(base, w)], bufi_v)
                pltpu.sync_copy(bufj_v, ej_hbm.at[pl.ds(base, w)])
                pltpu.sync_copy(bufi_v, ei_hbm.at[pl.ds(base, w)])

            return 0

        lax.fori_loop(0, k_max, chunk_body, 0)

    return reformat_kernel


def _make_sc_kernel(n_edges):
    c = _CHUNK
    n_chunks = n_edges // c
    cb = c // 128
    mesh = plsc.VectorSubcoreMesh(core_axis_name="c", subcore_axis_name="s")

    @functools.partial(
        pl.kernel,
        out_type=jax.ShapeDtypeStruct((n_edges // 128, _NUM_BASIS, 128),
                                      jnp.float32),
        mesh=mesh,
        scratch_types=[
            pltpu.VMEM((2, c), jnp.int32),
            pltpu.VMEM((2, c), jnp.int32),
            pltpu.VMEM((2, c, 8), jnp.float32),
            pltpu.VMEM((2, c, 8), jnp.float32),
            pltpu.VMEM((2, c), jnp.float32),
            pltpu.VMEM((2, c), jnp.float32),
            pltpu.VMEM((2, c), jnp.float32),
            pltpu.VMEM((2, cb, _NUM_BASIS, 128), jnp.float32),
            pltpu.SemaphoreType.DMA,
            pltpu.SemaphoreType.DMA,
            pltpu.SemaphoreType.DMA,
            pltpu.SemaphoreType.DMA,
        ],
        compiler_params=pltpu.CompilerParams(needs_layout_passes=False,
                                             use_tc_tiling_on_sc=False),
    )
    def sc_kernel(pos_hbm, ej_hbm, ei_hbm, sx_hbm, sy_hbm, sz_hbm, out_hbm,
                  idxj_v, idxi_v, pj_v, pi_v, shx_v, shy_v, shz_v, o_v,
                  sem_idx, sem_g, sem_sh, sem_o):
        wid = lax.axis_index("s") * _NC + lax.axis_index("c")
        lanes = lax.iota(jnp.int32, 16)
        zeros16 = jnp.zeros((16,), jnp.int32)
        nk = lax.shift_right_logical(n_chunks - 1 - wid, 5) + 1

        def cbase(kk):
            return (wid + kk * _NW) * c

        def idx_copies(kk, b):
            base = cbase(kk)
            return (pltpu.make_async_copy(ej_hbm.at[pl.ds(base, c)],
                                          idxj_v.at[b], sem_idx),
                    pltpu.make_async_copy(ei_hbm.at[pl.ds(base, c)],
                                          idxi_v.at[b], sem_idx))

        def sh_copies(kk, b):
            base = cbase(kk)
            return (pltpu.make_async_copy(sx_hbm.at[pl.ds(base, c)],
                                          shx_v.at[b], sem_sh),
                    pltpu.make_async_copy(sy_hbm.at[pl.ds(base, c)],
                                          shy_v.at[b], sem_sh),
                    pltpu.make_async_copy(sz_hbm.at[pl.ds(base, c)],
                                          shz_v.at[b], sem_sh))

        def g_copies(b):
            return (pltpu.make_async_copy(pos_hbm.at[idxj_v.at[b]],
                                          pj_v.at[b], sem_g),
                    pltpu.make_async_copy(pos_hbm.at[idxi_v.at[b]],
                                          pi_v.at[b], sem_g))

        def o_copy(kk, b):
            return pltpu.make_async_copy(
                o_v.at[b], out_hbm.at[pl.ds((wid + kk * _NW) * cb, cb), :, :],
                sem_o)

        def start(copies):
            for cp in copies:
                cp.start()

        def wait(copies):
            for cp in copies:
                cp.wait()

        start(idx_copies(0, 0))
        wait(idx_copies(0, 0))
        start(g_copies(0))
        start(sh_copies(0, 0))

        @pl.when(nk > 1)
        def _():
            start(idx_copies(1, 1))

        def chunk_body(k, _):
            b0 = k & 1
            b1 = 1 - b0
            have_next = k + 1 < nk

            @pl.when(have_next)
            def _():
                wait(idx_copies(k + 1, b1))
            wait(g_copies(b0))

            @pl.when(have_next)
            def _():
                start(g_copies(b1))

            @pl.when(k + 2 < nk)
            def _():
                start(idx_copies(k + 2, b0))
            wait(sh_copies(k, b0))

            @pl.when(have_next)
            def _():
                start(sh_copies(k + 1, b1))

            @pl.when(k >= 1)
            def _():
                wait((o_copy(k - 1, b1),))

            pjb = pj_v.at[b0]
            pib = pi_v.at[b0]

            def group_body(g, _):
                b16 = g * 16
                rows = b16 + lanes
                blk = lax.shift_right_logical(g, 3)
                sub16 = (g & 7) * 16
                xi = plsc.load_gather(pib, [rows, zeros16])
                yi = plsc.load_gather(pib, [rows, zeros16 + 1])
                zi = plsc.load_gather(pib, [rows, zeros16 + 2])
                xj = plsc.load_gather(pjb, [rows, zeros16])
                yj = plsc.load_gather(pjb, [rows, zeros16 + 1])
                zj = plsc.load_gather(pjb, [rows, zeros16 + 2])
                sx = shx_v[b0, pl.ds(b16, 16)]
                sy = shy_v[b0, pl.ds(b16, 16)]
                sz = shz_v[b0, pl.ds(b16, 16)]
                f, tc, s1 = _basis_block(xi, yi, zi, xj, yj, zj, sx, sy, sz)
                sm = s1
                smm = jnp.zeros((16,), jnp.float32)
                for n in range(_NUM_BASIS):
                    o_v[b0, blk, n, pl.ds(sub16, 16)] = sm * f
                    sm, smm = tc * sm - smm, sm
                return 0

            lax.fori_loop(0, c // 16, group_body, 0)
            start((o_copy(k, b0),))
            return 0

        lax.fori_loop(0, nk, chunk_body, 0)
        wait((o_copy(nk - 1, (nk - 1) & 1),))

    return sc_kernel


def kernel(pos, edge_index, nbr_shift):
    n_edges = edge_index.shape[1]
    pos8 = jnp.pad(pos, ((0, 0), (0, 5)))
    ej, ei = _make_reformat_kernel(n_edges)(edge_index)
    shift_t = nbr_shift.T
    sx = shift_t[0]
    sy = shift_t[1]
    sz = shift_t[2]
    sc = _make_sc_kernel(n_edges)
    out3 = sc(pos8, ej, ei, sx, sy, sz)
    return out3.transpose(0, 2, 1).reshape(n_edges, _NUM_BASIS)

# --- scband reference (transcript-rebuilt; emitter-appended) ---
"""Pipeline reference for scband-radial-basis-edge-encoding-69406671503712 (READ-ONLY COPY).

The authoritative reference and input builder live on the scoring server;
editing this copy changes nothing except your own understanding.
"""

import jax, jax.numpy as jnp
import numpy as np

N_NODES = 100000
N_EDGES = 6400000
NUM_BASIS = 8
R_MAX = 6.0
CUTOFF_P = 6.0


def setup_inputs(seed: int = 0) -> dict:
    key = jax.random.key(seed)
    k1, k2, k3 = jax.random.split(key, 3)
    pos = jax.random.normal(k1, (N_NODES, 3), dtype=jnp.float32) * 3.0
    edge_index = jax.random.randint(k2, (2, N_EDGES), 0, N_NODES, dtype=jnp.int32)
    nbr_shift = jax.random.normal(k3, (N_EDGES, 3), dtype=jnp.float32) * 0.5
    return {"pos": pos, "edge_index": edge_index, "nbr_shift": nbr_shift}


def _bessel_basis(x):
    # BesselBasis: prefactor * sin(n*pi*x/r_max) / x, n = 1..NUM_BASIS
    freqs = jnp.pi * jnp.arange(1, NUM_BASIS + 1, dtype=jnp.float32)
    prefactor = 2.0 / R_MAX
    xr = x[:, None]
    return prefactor * jnp.sin(freqs * xr / R_MAX) / xr


def _poly_cutoff(x):
    # PolynomialCutoff with p = CUTOFF_P
    p = CUTOFF_P
    r = x / R_MAX
    out = (1.0
           - ((p + 1.0) * (p + 2.0) / 2.0) * jnp.power(r, p)
           + p * (p + 2.0) * jnp.power(r, p + 1.0)
           - (p * (p + 1.0) / 2.0) * jnp.power(r, p + 2.0))
    return out * (r < 1.0).astype(x.dtype)


def reference(pos, edge_index, nbr_shift):
    j = edge_index[0]
    i = edge_index[1]
    edge_dir = jnp.take(pos, i, axis=0) + nbr_shift - jnp.take(pos, j, axis=0)
    edge_length = jnp.sqrt(jnp.sum(edge_dir * edge_dir, axis=-1))
    edge_length_embedded = _bessel_basis(edge_length) * _poly_cutoff(edge_length)[:, None]
    return edge_length_embedded

if __name__ == "__main__":
    import jax
    _d = setup_inputs()
    print(jax.jit(kernel)(*tuple(_d.values())))

</pallas_src>

<mosaic_0001>
#map = affine_map<(d0, d1) -> (0, 0)>
#map1 = affine_map<(d0, d1) -> (0)>
#map2 = affine_map<(d0, d1) -> (0, 0, 0)>
module attributes {stable_mosaic.version = 14 : i64} {
  func.func @sc_kernel(%arg0: i32, %arg1: i32, %arg2: memref<100000x8xf32, #tpu.memory_space<hbm>>, %arg3: memref<6400000xi32, #tpu.memory_space<hbm>>, %arg4: memref<6400000xi32, #tpu.memory_space<hbm>>, %arg5: memref<6400000xf32, #tpu.memory_space<hbm>>, %arg6: memref<6400000xf32, #tpu.memory_space<hbm>>, %arg7: memref<6400000xf32, #tpu.memory_space<hbm>>, %arg8: memref<50000x8x128xf32, #tpu.memory_space<hbm>>, %arg9: memref<2x2048xi32, #tpu.memory_space<vmem>>, %arg10: memref<2x2048xi32, #tpu.memory_space<vmem>>, %arg11: memref<2x2048x8xf32, #tpu.memory_space<vmem>>, %arg12: memref<2x2048x8xf32, #tpu.memory_space<vmem>>, %arg13: memref<2x2048xf32, #tpu.memory_space<vmem>>, %arg14: memref<2x2048xf32, #tpu.memory_space<vmem>>, %arg15: memref<2x2048xf32, #tpu.memory_space<vmem>>, %arg16: memref<2x16x8x128xf32, #tpu.memory_space<vmem>>, %arg17: memref<!tpu.dma_semaphore, #tpu.memory_space<semaphore_mem>>, %arg18: memref<!tpu.dma_semaphore, #tpu.memory_space<semaphore_mem>>, %arg19: memref<!tpu.dma_semaphore, #tpu.memory_space<semaphore_mem>>, %arg20: memref<!tpu.dma_semaphore, #tpu.memory_space<semaphore_mem>>) attributes {dimension_semantics = [#tpu.dimension_semantics<core_parallel>, #tpu.dimension_semantics<subcore_parallel>], iteration_bounds = array<i64: 2, 16>, scalar_prefetch = 0 : i64, scratch_operands = 12 : i64, tpu.core_type = #tpu.core_type<sc_vector_subcore>, window_params = [{transform_indices = #map}, {transform_indices = #map1}, {transform_indices = #map1}, {transform_indices = #map1}, {transform_indices = #map1}, {transform_indices = #map1}, {transform_indices = #map2}]} {
    %mul3A = arith.constant 2 : i32
    %mul3A_0 = arith.muli %arg1, %mul3A : i32
    %add3A = arith.addi %mul3A_0, %arg0 : i32
    %iota3A = tpu.iota {dimensions = array<i32: 0>} : vector<16xi32>
    %broadcast_in_dim3A = arith.constant 0 : i32
    %broadcast_in_dim3A_1 = vector.broadcast %broadcast_in_dim3A : i32 to vector<16xi32>
    %sub3A = arith.constant 3124 : i32
    %sub3A_2 = arith.subi %sub3A, %add3A : i32
    %shift_right_logical3A = arith.constant 5 : i32
    %shift_right_logical3A_3 = arith.shrui %sub3A_2, %shift_right_logical3A : i32
    %add3A_4 = arith.constant 1 : i32
    %add3A_5 = arith.addi %shift_right_logical3A_3, %add3A_4 : i32
    %add3A_6 = arith.constant 0 : i32
    %add3A_7 = arith.addi %add3A, %add3A_6 : i32
    %mul3A_8 = arith.constant 2048 : i32
    %mul3A_9 = arith.muli %add3A_7, %mul3A_8 : i32
    %dma_start3A = arith.constant 0 : i32
    %dma_start3A_10 = arith.constant 0 : i32
    %dma_start3A_11 = tpu.memref_slice %arg9[%dma_start3A, %dma_start3A_10] : memref<2x2048xi32, #tpu.memory_space<vmem>> -> memref<1x2048xi32, #tpu.memory_space<vmem>>
    %dma_start3A_12 = tpu.memref_squeeze %dma_start3A_11 : memref<1x2048xi32, #tpu.memory_space<vmem>> -> memref<2048xi32, #tpu.memory_space<vmem>>
    %dma_start3A_13 = tpu.memref_slice %arg3[%mul3A_9] : memref<6400000xi32, #tpu.memory_space<hbm>> -> memref<2048xi32, #tpu.memory_space<hbm>>
    %dma_start3A_14 = arith.constant 0 : i32
    %dma_start3A_15 = tpu.memref_slice %arg9[%dma_start3A, %dma_start3A_14] : memref<2x2048xi32, #tpu.memory_space<vmem>> -> memref<1x2048xi32, #tpu.memory_space<vmem>>
    %dma_start3A_16 = tpu.memref_squeeze %dma_start3A_15 : memref<1x2048xi32, #tpu.memory_space<vmem>> -> memref<2048xi32, #tpu.memory_space<vmem>>
    %dma_start3A_17 = tpu.memref_slice %arg3[%mul3A_9] : memref<6400000xi32, #tpu.memory_space<hbm>> -> memref<2048xi32, #tpu.memory_space<hbm>>
    tpu.enqueue_dma source(%dma_start3A_17 : memref<2048xi32, #tpu.memory_space<hbm>>) target(%dma_start3A_16 : memref<2048xi32, #tpu.memory_space<vmem>>) target_semaphore(%arg17 : memref<!tpu.dma_semaphore, #tpu.memory_space<semaphore_mem>>)
    %dma_start3A_18 = arith.constant 0 : i32
    %dma_start3A_19 = arith.constant 0 : i32
    %dma_start3A_20 = tpu.memref_slice %arg10[%dma_start3A_18, %dma_start3A_19] : memref<2x2048xi32, #tpu.memory_space<vmem>> -> memref<1x2048xi32, #tpu.memory_space<vmem>>
    %dma_start3A_21 = tpu.memref_squeeze %dma_start3A_20 : memref<1x2048xi32, #tpu.memory_space<vmem>> -> memref<2048xi32, #tpu.memory_space<vmem>>
    %dma_start3A_22 = tpu.memref_slice %arg4[%mul3A_9] : memref<6400000xi32, #tpu.memory_space<hbm>> -> memref<2048xi32, #tpu.memory_space<hbm>>
    %dma_start3A_23 = arith.constant 0 : i32
    %dma_start3A_24 = tpu.memref_slice %arg10[%dma_start3A_18, %dma_start3A_23] : memref<2x2048xi32, #tpu.memory_space<vmem>> -> memref<1x2048xi32, #tpu.memory_space<vmem>>
    %dma_start3A_25 = tpu.memref_squeeze %dma_start3A_24 : memref<1x2048xi32, #tpu.memory_space<vmem>> -> memref<2048xi32, #tpu.memory_space<vmem>>
    %dma_start3A_26 = tpu.memref_slice %arg4[%mul3A_9] : memref<6400000xi32, #tpu.memory_space<hbm>> -> memref<2048xi32, #tpu.memory_space<hbm>>
    tpu.enqueue_dma source(%dma_start3A_26 : memref<2048xi32, #tpu.memory_space<hbm>>) target(%dma_start3A_25 : memref<2048xi32, #tpu.memory_space<vmem>>) target_semaphore(%arg17 : memref<!tpu.dma_semaphore, #tpu.memory_space<semaphore_mem>>)
    %add3A_27 = arith.constant 0 : i32
    %add3A_28 = arith.addi %add3A, %add3A_27 : i32
    %mul3A_29 = arith.constant 2048 : i32
    %mul3A_30 = arith.muli %add3A_28, %mul3A_29 : i32
    %dma_wait3A = arith.constant 0 : i32
    %dma_wait3A_31 = arith.constant 0 : i32
    %dma_wait3A_32 = tpu.memref_slice %arg9[%dma_wait3A, %dma_wait3A_31] : memref<2x2048xi32, #tpu.memory_space<vmem>> -> memref<1x2048xi32, #tpu.memory_space<vmem>>
    %dma_wait3A_33 = tpu.memref_squeeze %dma_wait3A_32 : memref<1x2048xi32, #tpu.memory_space<vmem>> -> memref<2048xi32, #tpu.memory_space<vmem>>
    %dma_wait3A_34 = tpu.memref_slice %arg3[%mul3A_30] : memref<6400000xi32, #tpu.memory_space<hbm>> -> memref<2048xi32, #tpu.memory_space<hbm>>
    %dma_wait3A_35 = arith.constant 0 : i32
    %dma_wait3A_36 = tpu.memref_slice %arg9[%dma_wait3A, %dma_wait3A_35] : memref<2x2048xi32, #tpu.memory_space<vmem>> -> memref<1x2048xi32, #tpu.memory_space<vmem>>
    %dma_wait3A_37 = tpu.memref_squeeze %dma_wait3A_36 : memref<1x2048xi32, #tpu.memory_space<vmem>> -> memref<2048xi32, #tpu.memory_space<vmem>>
    %dma_wait3A_38 = tpu.memref_slice %arg3[%mul3A_30] : memref<6400000xi32, #tpu.memory_space<hbm>> -> memref<2048xi32, #tpu.memory_space<hbm>>
    tpu.wait_dma2 semaphore(%arg17 : memref<!tpu.dma_semaphore, #tpu.memory_space<semaphore_mem>>) src(%dma_wait3A_38 : memref<2048xi32, #tpu.memory_space<hbm>>) dst(%dma_wait3A_37 : memref<2048xi32, #tpu.memory_space<vmem>>)
    %dma_wait3A_39 = arith.constant 0 : i32
    %dma_wait3A_40 = arith.constant 0 : i32
    %dma_wait3A_41 = tpu.memref_slice %arg10[%dma_wait3A_39, %dma_wait3A_40] : memref<2x2048xi32, #tpu.memory_space<vmem>> -> memref<1x2048xi32, #tpu.memory_space<vmem>>
    %dma_wait3A_42 = tpu.memref_squeeze %dma_wait3A_41 : memref<1x2048xi32, #tpu.memory_space<vmem>> -> memref<2048xi32, #tpu.memory_space<vmem>>
    %dma_wait3A_43 = tpu.memref_slice %arg4[%mul3A_30] : memref<6400000xi32, #tpu.memory_space<hbm>> -> memref<2048xi32, #tpu.memory_space<hbm>>
    %dma_wait3A_44 = arith.constant 0 : i32
    %dma_wait3A_45 = tpu.memref_slice %arg10[%dma_wait3A_39, %dma_wait3A_44] : memref<2x2048xi32, #tpu.memory_space<vmem>> -> memref<1x2048xi32, #tpu.memory_space<vmem>>
    %dma_wait3A_46 = tpu.memref_squeeze %dma_wait3A_45 : memref<1x2048xi32, #tpu.memory_space<vmem>> -> memref<2048xi32, #tpu.memory_space<vmem>>
    %dma_wait3A_47 = tpu.memref_slice %arg4[%mul3A_30] : memref<6400000xi32, #tpu.memory_space<hbm>> -> memref<2048xi32, #tpu.memory_space<hbm>>
    tpu.wait_dma2 semaphore(%arg17 : memref<!tpu.dma_semaphore, #tpu.memory_space<semaphore_mem>>) src(%dma_wait3A_47 : memref<2048xi32, #tpu.memory_space<hbm>>) dst(%dma_wait3A_46 : memref<2048xi32, #tpu.memory_space<vmem>>)
    %dma_start3A_48 = arith.constant 0 : i32
    %dma_start3A_49 = arith.constant 0 : i32
    %dma_start3A_50 = arith.constant 0 : i32
    %dma_start3A_51 = arith.constant 0 : i32
    %dma_start3A_52 = tpu.memref_slice %arg11[%dma_start3A_49, %dma_start3A_50, %dma_start3A_51] : memref<2x2048x8xf32, #tpu.memory_space<vmem>> -> memref<1x2048x8xf32, #tpu.memory_space<vmem>>
    %dma_start3A_53 = tpu.memref_squeeze %dma_start3A_52 : memref<1x2048x8xf32, #tpu.memory_space<vmem>> -> memref<2048x8xf32, #tpu.memory_space<vmem>>
    %dma_start3A_54 = arith.constant 0 : i32
    %dma_start3A_55 = tpu.memref_slice %arg9[%dma_start3A_48, %dma_start3A_54] : memref<2x2048xi32, #tpu.memory_space<vmem>> -> memref<1x2048xi32, #tpu.memory_space<vmem>>
    %dma_start3A_56 = tpu.memref_squeeze %dma_start3A_55 : memref<1x2048xi32, #tpu.memory_space<vmem>> -> memref<2048xi32, #tpu.memory_space<vmem>>
    %dma_start3A_57 = arith.constant 0 : i32
    %dma_start3A_58 = arith.constant 0 : i32
    %dma_start3A_59 = tpu.memref_slice %arg2[%dma_start3A_57, %dma_start3A_58] : memref<100000x8xf32, #tpu.memory_space<hbm>> -> memref<100000x8xf32, #tpu.memory_space<hbm>>
    tpu.enqueue_indirect_dma source(%dma_start3A_59 : memref<100000x8xf32, #tpu.memory_space<hbm>>) target(%dma_start3A_53 : memref<2048x8xf32, #tpu.memory_space<vmem>>) offsets(%dma_start3A_56 : memref<2048xi32, #tpu.memory_space<vmem>>) semaphore(%arg18 : memref<!tpu.dma_semaphore, #tpu.memory_space<semaphore_mem>>)
    %dma_start3A_60 = arith.constant 0 : i32
    %dma_start3A_61 = arith.constant 0 : i32
    %dma_start3A_62 = arith.constant 0 : i32
    %dma_start3A_63 = arith.constant 0 : i32
    %dma_start3A_64 = tpu.memref_slice %arg12[%dma_start3A_61, %dma_start3A_62, %dma_start3A_63] : memref<2x2048x8xf32, #tpu.memory_space<vmem>> -> memref<1x2048x8xf32, #tpu.memory_space<vmem>>
    %dma_start3A_65 = tpu.memref_squeeze %dma_start3A_64 : memref<1x2048x8xf32, #tpu.memory_space<vmem>> -> memref<2048x8xf32, #tpu.memory_space<vmem>>
    %dma_start3A_66 = arith.constant 0 : i32
    %dma_start3A_67 = tpu.memref_slice %arg10[%dma_start3A_60, %dma_start3A_66] : memref<2x2048xi32, #tpu.memory_space<vmem>> -> memref<1x2048xi32, #tpu.memory_space<vmem>>
    %dma_start3A_68 = tpu.memref_squeeze %dma_start3A_67 : memref<1x2048xi32, #tpu.memory_space<vmem>> -> memref<2048xi32, #tpu.memory_space<vmem>>
    %dma_start3A_69 = arith.constant 0 : i32
    %dma_start3A_70 = arith.constant 0 : i32
    %dma_start3A_71 = tpu.memref_slice %arg2[%dma_start3A_69, %dma_start3A_70] : memref<100000x8xf32, #tpu.memory_space<hbm>> -> memref<100000x8xf32, #tpu.memory_space<hbm>>
    tpu.enqueue_indirect_dma source(%dma_start3A_71 : memref<100000x8xf32, #tpu.memory_space<hbm>>) target(%dma_start3A_65 : memref<2048x8xf32, #tpu.memory_space<vmem>>) offsets(%dma_start3A_68 : memref<2048xi32, #tpu.memory_space<vmem>>) semaphore(%arg18 : memref<!tpu.dma_semaphore, #tpu.memory_space<semaphore_mem>>)
    %add3A_72 = arith.constant 0 : i32
    %add3A_73 = arith.addi %add3A, %add3A_72 : i32
    %mul3A_74 = arith.constant 2048 : i32
    %mul3A_75 = arith.muli %add3A_73, %mul3A_74 : i32
    %dma_start3A_76 = arith.constant 0 : i32
    %dma_start3A_77 = arith.constant 0 : i32
    %dma_start3A_78 = tpu.memref_slice %arg13[%dma_start3A_76, %dma_start3A_77] : memref<2x2048xf32, #tpu.memory_space<vmem>> -> memref<1x2048xf32, #tpu.memory_space<vmem>>
    %dma_start3A_79 = tpu.memref_squeeze %dma_start3A_78 : memref<1x2048xf32, #tpu.memory_space<vmem>> -> memref<2048xf32, #tpu.memory_space<vmem>>
    %dma_start3A_80 = tpu.memref_slice %arg5[%mul3A_75] : memref<6400000xf32, #tpu.memory_space<hbm>> -> memref<2048xf32, #tpu.memory_space<hbm>>
    %dma_start3A_81 = arith.constant 0 : i32
    %dma_start3A_82 = tpu.memref_slice %arg13[%dma_start3A_76, %dma_start3A_81] : memref<2x2048xf32, #tpu.memory_space<vmem>> -> memref<1x2048xf32, #tpu.memory_space<vmem>>
    %dma_start3A_83 = tpu.memref_squeeze %dma_start3A_82 : memref<1x2048xf32, #tpu.memory_space<vmem>> -> memref<2048xf32, #tpu.memory_space<vmem>>
    %dma_start3A_84 = tpu.memref_slice %arg5[%mul3A_75] : memref<6400000xf32, #tpu.memory_space<hbm>> -> memref<2048xf32, #tpu.memory_space<hbm>>
    tpu.enqueue_dma source(%dma_start3A_84 : memref<2048xf32, #tpu.memory_space<hbm>>) target(%dma_start3A_83 : memref<2048xf32, #tpu.memory_space<vmem>>) target_semaphore(%arg19 : memref<!tpu.dma_semaphore, #tpu.memory_space<semaphore_mem>>)
    %dma_start3A_85 = arith.constant 0 : i32
    %dma_start3A_86 = arith.constant 0 : i32
    %dma_start3A_87 = tpu.memref_slice %arg14[%dma_start3A_85, %dma_start3A_86] : memref<2x2048xf32, #tpu.memory_space<vmem>> -> memref<1x2048xf32, #tpu.memory_space<vmem>>
    %dma_start3A_88 = tpu.memref_squeeze %dma_start3A_87 : memref<1x2048xf32, #tpu.memory_space<vmem>> -> memref<2048xf32, #tpu.memory_space<vmem>>
    %dma_start3A_89 = tpu.memref_slice %arg6[%mul3A_75] : memref<6400000xf32, #tpu.memory_space<hbm>> -> memref<2048xf32, #tpu.memory_space<hbm>>
    %dma_start3A_90 = arith.constant 0 : i32
    %dma_start3A_91 = tpu.memref_slice %arg14[%dma_start3A_85, %dma_start3A_90] : memref<2x2048xf32, #tpu.memory_space<vmem>> -> memref<1x2048xf32, #tpu.memory_space<vmem>>
    %dma_start3A_92 = tpu.memref_squeeze %dma_start3A_91 : memref<1x2048xf32, #tpu.memory_space<vmem>> -> memref<2048xf32, #tpu.memory_space<vmem>>
    %dma_start3A_93 = tpu.memref_slice %arg6[%mul3A_75] : memref<6400000xf32, #tpu.memory_space<hbm>> -> memref<2048xf32, #tpu.memory_space<hbm>>
    tpu.enqueue_dma source(%dma_start3A_93 : memref<2048xf32, #tpu.memory_space<hbm>>) target(%dma_start3A_92 : memref<2048xf32, #tpu.memory_space<vmem>>) target_semaphore(%arg19 : memref<!tpu.dma_semaphore, #tpu.memory_space<semaphore_mem>>)
    %dma_start3A_94 = arith.constant 0 : i32
    %dma_start3A_95 = arith.constant 0 : i32
    %dma_start3A_96 = tpu.memref_slice %arg15[%dma_start3A_94, %dma_start3A_95] : memref<2x2048xf32, #tpu.memory_space<vmem>> -> memref<1x2048xf32, #tpu.memory_space<vmem>>
    %dma_start3A_97 = tpu.memref_squeeze %dma_start3A_96 : memref<1x2048xf32, #tpu.memory_space<vmem>> -> memref<2048xf32, #tpu.memory_space<vmem>>
    %dma_start3A_98 = tpu.memref_slice %arg7[%mul3A_75] : memref<6400000xf32, #tpu.memory_space<hbm>> -> memref<2048xf32, #tpu.memory_space<hbm>>
    %dma_start3A_99 = arith.constant 0 : i32
    %dma_start3A_100 = tpu.memref_slice %arg15[%dma_start3A_94, %dma_start3A_99] : memref<2x2048xf32, #tpu.memory_space<vmem>> -> memref<1x2048xf32, #tpu.memory_space<vmem>>
    %dma_start3A_101 = tpu.memref_squeeze %dma_start3A_100 : memref<1x2048xf32, #tpu.memory_space<vmem>> -> memref<2048xf32, #tpu.memory_space<vmem>>
    %dma_start3A_102 = tpu.memref_slice %arg7[%mul3A_75] : memref<6400000xf32, #tpu.memory_space<hbm>> -> memref<2048xf32, #tpu.memory_space<hbm>>
    tpu.enqueue_dma source(%dma_start3A_102 : memref<2048xf32, #tpu.memory_space<hbm>>) target(%dma_start3A_101 : memref<2048xf32, #tpu.memory_space<vmem>>) target_semaphore(%arg19 : memref<!tpu.dma_semaphore, #tpu.memory_space<semaphore_mem>>)
    %gt3A = arith.constant 1 : i32
    %gt3A_103 = arith.cmpi sgt, %add3A_5, %gt3A : i32
    %convert_element_type3A = arith.extui %gt3A_103 : i1 to i32
    %cond3A = arith.constant 0 : i32
    %cond3A_104 = arith.cmpi ne, %convert_element_type3A, %cond3A : i32
    scf.if %cond3A_104 {
      %add3A_142 = arith.constant 32 : i32
      %add3A_143 = arith.addi %add3A, %add3A_142 : i32
      %mul3A_144 = arith.constant 2048 : i32
      %mul3A_145 = arith.muli %add3A_143, %mul3A_144 : i32
      %dma_start3A_146 = arith.constant 1 : i32
      %dma_start3A_147 = arith.constant 0 : i32
      %dma_start3A_148 = tpu.memref_slice %arg9[%dma_start3A_146, %dma_start3A_147] : memref<2x2048xi32, #tpu.memory_space<vmem>> -> memref<1x2048xi32, #tpu.memory_space<vmem>>
      %dma_start3A_149 = tpu.memref_squeeze %dma_start3A_148 : memref<1x2048xi32, #tpu.memory_space<vmem>> -> memref<2048xi32, #tpu.memory_space<vmem>>
      %dma_start3A_150 = tpu.memref_slice %arg3[%mul3A_145] : memref<6400000xi32, #tpu.memory_space<hbm>> -> memref<2048xi32, #tpu.memory_space<hbm>>
      %dma_start3A_151 = arith.constant 0 : i32
      %dma_start3A_152 = tpu.memref_slice %arg9[%dma_start3A_146, %dma_start3A_151] : memref<2x2048xi32, #tpu.memory_space<vmem>> -> memref<1x2048xi32, #tpu.memory_space<vmem>>
      %dma_start3A_153 = tpu.memref_squeeze %dma_start3A_152 : memref<1x2048xi32, #tpu.memory_space<vmem>> -> memref<2048xi32, #tpu.memory_space<vmem>>
      %dma_start3A_154 = tpu.memref_slice %arg3[%mul3A_145] : memref<6400000xi32, #tpu.memory_space<hbm>> -> memref<2048xi32, #tpu.memory_space<hbm>>
      tpu.enqueue_dma source(%dma_start3A_154 : memref<2048xi32, #tpu.memory_space<hbm>>) target(%dma_start3A_153 : memref<2048xi32, #tpu.memory_space<vmem>>) target_semaphore(%arg17 : memref<!tpu.dma_semaphore, #tpu.memory_space<semaphore_mem>>)
      %dma_start3A_155 = arith.constant 1 : i32
      %dma_start3A_156 = arith.constant 0 : i32
      %dma_start3A_157 = tpu.memref_slice %arg10[%dma_start3A_155, %dma_start3A_156] : memref<2x2048xi32, #tpu.memory_space<vmem>> -> memref<1x2048xi32, #tpu.memory_space<vmem>>
      %dma_start3A_158 = tpu.memref_squeeze %dma_start3A_157 : memref<1x2048xi32, #tpu.memory_space<vmem>> -> memref<2048xi32, #tpu.memory_space<vmem>>
      %dma_start3A_159 = tpu.memref_slice %arg4[%mul3A_145] : memref<6400000xi32, #tpu.memory_space<hbm>> -> memref<2048xi32, #tpu.memory_space<hbm>>
      %dma_start3A_160 = arith.constant 0 : i32
      %dma_start3A_161 = tpu.memref_slice %arg10[%dma_start3A_155, %dma_start3A_160] : memref<2x2048xi32, #tpu.memory_space<vmem>> -> memref<1x2048xi32, #tpu.memory_space<vmem>>
      %dma_start3A_162 = tpu.memref_squeeze %dma_start3A_161 : memref<1x2048xi32, #tpu.memory_space<vmem>> -> memref<2048xi32, #tpu.memory_space<vmem>>
      %dma_start3A_163 = tpu.memref_slice %arg4[%mul3A_145] : memref<6400000xi32, #tpu.memory_space<hbm>> -> memref<2048xi32, #tpu.memory_space<hbm>>
      tpu.enqueue_dma source(%dma_start3A_163 : memref<2048xi32, #tpu.memory_space<hbm>>) target(%dma_start3A_162 : memref<2048xi32, #tpu.memory_space<vmem>>) target_semaphore(%arg17 : memref<!tpu.dma_semaphore, #tpu.memory_space<semaphore_mem>>)
    } else {
    }
    %while3A = arith.constant 0 : i32
    %while3A_105 = arith.constant 0 : i32
    %while3A_106 = arith.subi %add3A_5, %while3A : i32
    %while3A_107 = arith.addi %while3A, %while3A_106 : i32
    %while3A_108 = arith.constant 1 : i32
    %while3A_109 = arith.divsi %while3A_106, %while3A_108 : i32
    %while3A_110 = arith.muli %while3A_109, %while3A_108 : i32
    %while3A_111 = arith.addi %while3A, %while3A_110 : i32
    %while3A_112 = arith.constant 1 : i32
    %while3A_113 = scf.for %while3A_142 = %while3A to %while3A_111 step %while3A_112 iter_args(%while3A_143 = %while3A_105) -> (i32)  : i32 {
      %and3A_144 = arith.constant 1 : i32
      %and3A_145 = arith.andi %while3A_142, %and3A_144 : i32
      %sub3A_146 = arith.constant 1 : i32
      %sub3A_147 = arith.subi %sub3A_146, %and3A_145 : i32
      %add3A_148 = arith.constant 1 : i32
      %add3A_149 = arith.addi %while3A_142, %add3A_148 : i32
      %lt3A = arith.cmpi slt, %add3A_149, %add3A_5 : i32
      %convert_element_type3A_150 = arith.extui %lt3A : i1 to i32
      %cond3A_151 = arith.constant 0 : i32
      %cond3A_152 = arith.cmpi ne, %convert_element_type3A_150, %cond3A_151 : i32
      scf.if %cond3A_152 {
        %add3A_246 = arith.constant 1 : i32
        %add3A_247 = arith.addi %while3A_142, %add3A_246 : i32
        %mul3A_248 = arith.constant 32 : i32
        %mul3A_249 = arith.muli %add3A_247, %mul3A_248 : i32
        %add3A_250 = arith.addi %add3A, %mul3A_249 : i32
        %mul3A_251 = arith.constant 2048 : i32
        %mul3A_252 = arith.muli %add3A_250, %mul3A_251 : i32
        %dma_wait3A_253 = arith.constant 0 : i32
        %dma_wait3A_254 = tpu.memref_slice %arg9[%sub3A_147, %dma_wait3A_253] : memref<2x2048xi32, #tpu.memory_space<vmem>> -> memref<1x2048xi32, #tpu.memory_space<vmem>>
        %dma_wait3A_255 = tpu.memref_squeeze %dma_wait3A_254 : memref<1x2048xi32, #tpu.memory_space<vmem>> -> memref<2048xi32, #tpu.memory_space<vmem>>
        %dma_wait3A_256 = tpu.memref_slice %arg3[%mul3A_252] : memref<6400000xi32, #tpu.memory_space<hbm>> -> memref<2048xi32, #tpu.memory_space<hbm>>
        %dma_wait3A_257 = arith.constant 0 : i32
        %dma_wait3A_258 = tpu.memref_slice %arg9[%sub3A_147, %dma_wait3A_257] : memref<2x2048xi32, #tpu.memory_space<vmem>> -> memref<1x2048xi32, #tpu.memory_space<vmem>>
        %dma_wait3A_259 = tpu.memref_squeeze %dma_wait3A_258 : memref<1x2048xi32, #tpu.memory_space<vmem>> -> memref<2048xi32, #tpu.memory_space<vmem>>
        %dma_wait3A_260 = tpu.memref_slice %arg3[%mul3A_252] : memref<6400000xi32, #tpu.memory_space<hbm>> -> memref<2048xi32, #tpu.memory_space<hbm>>
        tpu.wait_dma2 semaphore(%arg17 : memref<!tpu.dma_semaphore, #tpu.memory_space<semaphore_mem>>) src(%dma_wait3A_260 : memref<2048xi32, #tpu.memory_space<hbm>>) dst(%dma_wait3A_259 : memref<2048xi32, #tpu.memory_space<vmem>>)
        %dma_wait3A_261 = arith.constant 0 : i32
        %dma_wait3A_262 = tpu.memref_slice %arg10[%sub3A_147, %dma_wait3A_261] : memref<2x2048xi32, #tpu.memory_space<vmem>> -> memref<1x2048xi32, #tpu.memory_space<vmem>>
        %dma_wait3A_263 = tpu.memref_squeeze %dma_wait3A_262 : memref<1x2048xi32, #tpu.memory_space<vmem>> -> memref<2048xi32, #tpu.memory_space<vmem>>
        %dma_wait3A_264 = tpu.memref_slice %arg4[%mul3A_252] : memref<6400000xi32, #tpu.memory_space<hbm>> -> memref<2048xi32, #tpu.memory_space<hbm>>
        %dma_wait3A_265 = arith.constant 0 : i32
        %dma_wait3A_266 = tpu.memref_slice %arg10[%sub3A_147, %dma_wait3A_265] : memref<2x2048xi32, #tpu.memory_space<vmem>> -> memref<1x2048xi32, #tpu.memory_space<vmem>>
        %dma_wait3A_267 = tpu.memref_squeeze %dma_wait3A_266 : memref<1x2048xi32, #tpu.memory_space<vmem>> -> memref<2048xi32, #tpu.memory_space<vmem>>
        %dma_wait3A_268 = tpu.memref_slice %arg4[%mul3A_252] : memref<6400000xi32, #tpu.memory_space<hbm>> -> memref<2048xi32, #tpu.memory_space<hbm>>
        tpu.wait_dma2 semaphore(%arg17 : memref<!tpu.dma_semaphore, #tpu.memory_space<semaphore_mem>>) src(%dma_wait3A_268 : memref<2048xi32, #tpu.memory_space<hbm>>) dst(%dma_wait3A_267 : memref<2048xi32, #tpu.memory_space<vmem>>)
      } else {
      }
      %dma_wait3A_153 = arith.constant 0 : i32
      %dma_wait3A_154 = arith.constant 0 : i32
      %dma_wait3A_155 = tpu.memref_slice %arg11[%and3A_145, %dma_wait3A_153, %dma_wait3A_154] : memref<2x2048x8xf32, #tpu.memory_space<vmem>> -> memref<1x2048x8xf32, #tpu.memory_space<vmem>>
      %dma_wait3A_156 = tpu.memref_squeeze %dma_wait3A_155 : memref<1x2048x8xf32, #tpu.memory_space<vmem>> -> memref<2048x8xf32, #tpu.memory_space<vmem>>
      %dma_wait3A_157 = arith.constant 0 : i32
      %dma_wait3A_158 = tpu.memref_slice %arg9[%and3A_145, %dma_wait3A_157] : memref<2x2048xi32, #tpu.memory_space<vmem>> -> memref<1x2048xi32, #tpu.memory_space<vmem>>
      %dma_wait3A_159 = tpu.memref_squeeze %dma_wait3A_158 : memref<1x2048xi32, #tpu.memory_space<vmem>> -> memref<2048xi32, #tpu.memory_space<vmem>>
      %dma_wait3A_160 = arith.constant 0 : i32
      %dma_wait3A_161 = arith.constant 0 : i32
      %dma_wait3A_162 = tpu.memref_slice %arg2[%dma_wait3A_160, %dma_wait3A_161] : memref<100000x8xf32, #tpu.memory_space<hbm>> -> memref<100000x8xf32, #tpu.memory_space<hbm>>
      tpu.wait_indirect_dma semaphore(%arg18 : memref<!tpu.dma_semaphore, #tpu.memory_space<semaphore_mem>>) src(%dma_wait3A_162 : memref<100000x8xf32, #tpu.memory_space<hbm>>) dst(%dma_wait3A_156 : memref<2048x8xf32, #tpu.memory_space<vmem>>)
      %dma_wait3A_163 = arith.constant 0 : i32
      %dma_wait3A_164 = arith.constant 0 : i32
      %dma_wait3A_165 = tpu.memref_slice %arg12[%and3A_145, %dma_wait3A_163, %dma_wait3A_164] : memref<2x2048x8xf32, #tpu.memory_space<vmem>> -> memref<1x2048x8xf32, #tpu.memory_space<vmem>>
      %dma_wait3A_166 = tpu.memref_squeeze %dma_wait3A_165 : memref<1x2048x8xf32, #tpu.memory_space<vmem>> -> memref<2048x8xf32, #tpu.memory_space<vmem>>
      %dma_wait3A_167 = arith.constant 0 : i32
      %dma_wait3A_168 = tpu.memref_slice %arg10[%and3A_145, %dma_wait3A_167] : memref<2x2048xi32, #tpu.memory_space<vmem>> -> memref<1x2048xi32, #tpu.memory_space<vmem>>
      %dma_wait3A_169 = tpu.memref_squeeze %dma_wait3A_168 : memref<1x2048xi32, #tpu.memory_space<vmem>> -> memref<2048xi32, #tpu.memory_space<vmem>>
      %dma_wait3A_170 = arith.constant 0 : i32
      %dma_wait3A_171 = arith.constant 0 : i32
      %dma_wait3A_172 = tpu.memref_slice %arg2[%dma_wait3A_170, %dma_wait3A_171] : memref<100000x8xf32, #tpu.memory_space<hbm>> -> memref<100000x8xf32, #tpu.memory_space<hbm>>
      tpu.wait_indirect_dma semaphore(%arg18 : memref<!tpu.dma_semaphore, #tpu.memory_space<semaphore_mem>>) src(%dma_wait3A_172 : memref<100000x8xf32, #tpu.memory_space<hbm>>) dst(%dma_wait3A_166 : memref<2048x8xf32, #tpu.memory_space<vmem>>)
      %convert_element_type3A_173 = arith.extui %lt3A : i1 to i32
      %cond3A_174 = arith.constant 0 : i32
      %cond3A_175 = arith.cmpi ne, %convert_element_type3A_173, %cond3A_174 : i32
      scf.if %cond3A_175 {
        %dma_start3A_246 = arith.constant 0 : i32
        %dma_start3A_247 = arith.constant 0 : i32
        %dma_start3A_248 = tpu.memref_slice %arg11[%sub3A_147, %dma_start3A_246, %dma_start3A_247] : memref<2x2048x8xf32, #tpu.memory_space<vmem>> -> memref<1x2048x8xf32, #tpu.memory_space<vmem>>
        %dma_start3A_249 = tpu.memref_squeeze %dma_start3A_248 : memref<1x2048x8xf32, #tpu.memory_space<vmem>> -> memref<2048x8xf32, #tpu.memory_space<vmem>>
        %dma_start3A_250 = arith.constant 0 : i32
        %dma_start3A_251 = tpu.memref_slice %arg9[%sub3A_147, %dma_start3A_250] : memref<2x2048xi32, #tpu.memory_space<vmem>> -> memref<1x2048xi32, #tpu.memory_space<vmem>>
        %dma_start3A_252 = tpu.memref_squeeze %dma_start3A_251 : memref<1x2048xi32, #tpu.memory_space<vmem>> -> memref<2048xi32, #tpu.memory_space<vmem>>
        %dma_start3A_253 = arith.constant 0 : i32
        %dma_start3A_254 = arith.constant 0 : i32
        %dma_start3A_255 = tpu.memref_slice %arg2[%dma_start3A_253, %dma_start3A_254] : memref<100000x8xf32, #tpu.memory_space<hbm>> -> memref<100000x8xf32, #tpu.memory_space<hbm>>
        tpu.enqueue_indirect_dma source(%dma_start3A_255 : memref<100000x8xf32, #tpu.memory_space<hbm>>) target(%dma_start3A_249 : memref<2048x8xf32, #tpu.memory_space<vmem>>) offsets(%dma_start3A_252 : memref<2048xi32, #tpu.memory_space<vmem>>) semaphore(%arg18 : memref<!tpu.dma_semaphore, #tpu.memory_space<semaphore_mem>>)
        %dma_start3A_256 = arith.constant 0 : i32
        %dma_start3A_257 = arith.constant 0 : i32
        %dma_start3A_258 = tpu.memref_slice %arg12[%sub3A_147, %dma_start3A_256, %dma_start3A_257] : memref<2x2048x8xf32, #tpu.memory_space<vmem>> -> memref<1x2048x8xf32, #tpu.memory_space<vmem>>
        %dma_start3A_259 = tpu.memref_squeeze %dma_start3A_258 : memref<1x2048x8xf32, #tpu.memory_space<vmem>> -> memref<2048x8xf32, #tpu.memory_space<vmem>>
        %dma_start3A_260 = arith.constant 0 : i32
        %dma_start3A_261 = tpu.memref_slice %arg10[%sub3A_147, %dma_start3A_260] : memref<2x2048xi32, #tpu.memory_space<vmem>> -> memref<1x2048xi32, #tpu.memory_space<vmem>>
        %dma_start3A_262 = tpu.memref_squeeze %dma_start3A_261 : memref<1x2048xi32, #tpu.memory_space<vmem>> -> memref<2048xi32, #tpu.memory_space<vmem>>
        %dma_start3A_263 = arith.constant 0 : i32
        %dma_start3A_264 = arith.constant 0 : i32
        %dma_start3A_265 = tpu.memref_slice %arg2[%dma_start3A_263, %dma_start3A_264] : memref<100000x8xf32, #tpu.memory_space<hbm>> -> memref<100000x8xf32, #tpu.memory_space<hbm>>
        tpu.enqueue_indirect_dma source(%dma_start3A_265 : memref<100000x8xf32, #tpu.memory_space<hbm>>) target(%dma_start3A_259 : memref<2048x8xf32, #tpu.memory_space<vmem>>) offsets(%dma_start3A_262 : memref<2048xi32, #tpu.memory_space<vmem>>) semaphore(%arg18 : memref<!tpu.dma_semaphore, #tpu.memory_space<semaphore_mem>>)
      } else {
      }
      %add3A_176 = arith.constant 2 : i32
      %add3A_177 = arith.addi %while3A_142, %add3A_176 : i32
      %lt3A_178 = arith.cmpi slt, %add3A_177, %add3A_5 : i32
      %convert_element_type3A_179 = arith.extui %lt3A_178 : i1 to i32
      %cond3A_180 = arith.constant 0 : i32
      %cond3A_181 = arith.cmpi ne, %convert_element_type3A_179, %cond3A_180 : i32
      scf.if %cond3A_181 {
        %add3A_246 = arith.constant 2 : i32
        %add3A_247 = arith.addi %while3A_142, %add3A_246 : i32
        %mul3A_248 = arith.constant 32 : i32
        %mul3A_249 = arith.muli %add3A_247, %mul3A_248 : i32
        %add3A_250 = arith.addi %add3A, %mul3A_249 : i32
        %mul3A_251 = arith.constant 2048 : i32
        %mul3A_252 = arith.muli %add3A_250, %mul3A_251 : i32
        %dma_start3A_253 = arith.constant 0 : i32
        %dma_start3A_254 = tpu.memref_slice %arg9[%and3A_145, %dma_start3A_253] : memref<2x2048xi32, #tpu.memory_space<vmem>> -> memref<1x2048xi32, #tpu.memory_space<vmem>>
        %dma_start3A_255 = tpu.memref_squeeze %dma_start3A_254 : memref<1x2048xi32, #tpu.memory_space<vmem>> -> memref<2048xi32, #tpu.memory_space<vmem>>
        %dma_start3A_256 = tpu.memref_slice %arg3[%mul3A_252] : memref<6400000xi32, #tpu.memory_space<hbm>> -> memref<2048xi32, #tpu.memory_space<hbm>>
        %dma_start3A_257 = arith.constant 0 : i32
        %dma_start3A_258 = tpu.memref_slice %arg9[%and3A_145, %dma_start3A_257] : memref<2x2048xi32, #tpu.memory_space<vmem>> -> memref<1x2048xi32, #tpu.memory_space<vmem>>
        %dma_start3A_259 = tpu.memref_squeeze %dma_start3A_258 : memref<1x2048xi32, #tpu.memory_space<vmem>> -> memref<2048xi32, #tpu.memory_space<vmem>>
        %dma_start3A_260 = tpu.memref_slice %arg3[%mul3A_252] : memref<6400000xi32, #tpu.memory_space<hbm>> -> memref<2048xi32, #tpu.memory_space<hbm>>
        tpu.enqueue_dma source(%dma_start3A_260 : memref<2048xi32, #tpu.memory_space<hbm>>) target(%dma_start3A_259 : memref<2048xi32, #tpu.memory_space<vmem>>) target_semaphore(%arg17 : memref<!tpu.dma_semaphore, #tpu.memory_space<semaphore_mem>>)
        %dma_start3A_261 = arith.constant 0 : i32
        %dma_start3A_262 = tpu.memref_slice %arg10[%and3A_145, %dma_start3A_261] : memref<2x2048xi32, #tpu.memory_space<vmem>> -> memref<1x2048xi32, #tpu.memory_space<vmem>>
        %dma_start3A_263 = tpu.memref_squeeze %dma_start3A_262 : memref<1x2048xi32, #tpu.memory_space<vmem>> -> memref<2048xi32, #tpu.memory_space<vmem>>
        %dma_start3A_264 = tpu.memref_slice %arg4[%mul3A_252] : memref<6400000xi32, #tpu.memory_space<hbm>> -> memref<2048xi32, #tpu.memory_space<hbm>>
        %dma_start3A_265 = arith.constant 0 : i32
        %dma_start3A_266 = tpu.memref_slice %arg10[%and3A_145, %dma_start3A_265] : memref<2x2048xi32, #tpu.memory_space<vmem>> -> memref<1x2048xi32, #tpu.memory_space<vmem>>
        %dma_start3A_267 = tpu.memref_squeeze %dma_start3A_266 : memref<1x2048xi32, #tpu.memory_space<vmem>> -> memref<2048xi32, #tpu.memory_space<vmem>>
        %dma_start3A_268 = tpu.memref_slice %arg4[%mul3A_252] : memref<6400000xi32, #tpu.memory_space<hbm>> -> memref<2048xi32, #tpu.memory_space<hbm>>
        tpu.enqueue_dma source(%dma_start3A_268 : memref<2048xi32, #tpu.memory_space<hbm>>) target(%dma_start3A_267 : memref<2048xi32, #tpu.memory_space<vmem>>) target_semaphore(%arg17 : memref<!tpu.dma_semaphore, #tpu.memory_space<semaphore_mem>>)
      } else {
      }
      %mul3A_182 = arith.constant 32 : i32
      %mul3A_183 = arith.muli %while3A_142, %mul3A_182 : i32
      %add3A_184 = arith.addi %add3A, %mul3A_183 : i32
      %mul3A_185 = arith.constant 2048 : i32
      %mul3A_186 = arith.muli %add3A_184, %mul3A_185 : i32
      %dma_wait3A_187 = arith.constant 0 : i32
      %dma_wait3A_188 = tpu.memref_slice %arg13[%and3A_145, %dma_wait3A_187] : memref<2x2048xf32, #tpu.memory_space<vmem>> -> memref<1x2048xf32, #tpu.memory_space<vmem>>
      %dma_wait3A_189 = tpu.memref_squeeze %dma_wait3A_188 : memref<1x2048xf32, #tpu.memory_space<vmem>> -> memref<2048xf32, #tpu.memory_space<vmem>>
      %dma_wait3A_190 = tpu.memref_slice %arg5[%mul3A_186] : memref<6400000xf32, #tpu.memory_space<hbm>> -> memref<2048xf32, #tpu.memory_space<hbm>>
      %dma_wait3A_191 = arith.constant 0 : i32
      %dma_wait3A_192 = tpu.memref_slice %arg13[%and3A_145, %dma_wait3A_191] : memref<2x2048xf32, #tpu.memory_space<vmem>> -> memref<1x2048xf32, #tpu.memory_space<vmem>>
      %dma_wait3A_193 = tpu.memref_squeeze %dma_wait3A_192 : memref<1x2048xf32, #tpu.memory_space<vmem>> -> memref<2048xf32, #tpu.memory_space<vmem>>
      %dma_wait3A_194 = tpu.memref_slice %arg5[%mul3A_186] : memref<6400000xf32, #tpu.memory_space<hbm>> -> memref<2048xf32, #tpu.memory_space<hbm>>
      tpu.wait_dma2 semaphore(%arg19 : memref<!tpu.dma_semaphore, #tpu.memory_space<semaphore_mem>>) src(%dma_wait3A_194 : memref<2048xf32, #tpu.memory_space<hbm>>) dst(%dma_wait3A_193 : memref<2048xf32, #tpu.memory_space<vmem>>)
      %dma_wait3A_195 = arith.constant 0 : i32
      %dma_wait3A_196 = tpu.memref_slice %arg14[%and3A_145, %dma_wait3A_195] : memref<2x2048xf32, #tpu.memory_space<vmem>> -> memref<1x2048xf32, #tpu.memory_space<vmem>>
      %dma_wait3A_197 = tpu.memref_squeeze %dma_wait3A_196 : memref<1x2048xf32, #tpu.memory_space<vmem>> -> memref<2048xf32, #tpu.memory_space<vmem>>
      %dma_wait3A_198 = tpu.memref_slice %arg6[%mul3A_186] : memref<6400000xf32, #tpu.memory_space<hbm>> -> memref<2048xf32, #tpu.memory_space<hbm>>
      %dma_wait3A_199 = arith.constant 0 : i32
      %dma_wait3A_200 = tpu.memref_slice %arg14[%and3A_145, %dma_wait3A_199] : memref<2x2048xf32, #tpu.memory_space<vmem>> -> memref<1x2048xf32, #tpu.memory_space<vmem>>
      %dma_wait3A_201 = tpu.memref_squeeze %dma_wait3A_200 : memref<1x2048xf32, #tpu.memory_space<vmem>> -> memref<2048xf32, #tpu.memory_space<vmem>>
      %dma_wait3A_202 = tpu.memref_slice %arg6[%mul3A_186] : memref<6400000xf32, #tpu.memory_space<hbm>> -> memref<2048xf32, #tpu.memory_space<hbm>>
      tpu.wait_dma2 semaphore(%arg19 : memref<!tpu.dma_semaphore, #tpu.memory_space<semaphore_mem>>) src(%dma_wait3A_202 : memref<2048xf32, #tpu.memory_space<hbm>>) dst(%dma_wait3A_201 : memref<2048xf32, #tpu.memory_space<vmem>>)
      %dma_wait3A_203 = arith.constant 0 : i32
      %dma_wait3A_204 = tpu.memref_slice %arg15[%and3A_145, %dma_wait3A_203] : memref<2x2048xf32, #tpu.memory_space<vmem>> -> memref<1x2048xf32, #tpu.memory_space<vmem>>
      %dma_wait3A_205 = tpu.memref_squeeze %dma_wait3A_204 : memref<1x2048xf32, #tpu.memory_space<vmem>> -> memref<2048xf32, #tpu.memory_space<vmem>>
      %dma_wait3A_206 = tpu.memref_slice %arg7[%mul3A_186] : memref<6400000xf32, #tpu.memory_space<hbm>> -> memref<2048xf32, #tpu.memory_space<hbm>>
      %dma_wait3A_207 = arith.constant 0 : i32
      %dma_wait3A_208 = tpu.memref_slice %arg15[%and3A_145, %dma_wait3A_207] : memref<2x2048xf32, #tpu.memory_space<vmem>> -> memref<1x2048xf32, #tpu.memory_space<vmem>>
      %dma_wait3A_209 = tpu.memref_squeeze %dma_wait3A_208 : memref<1x2048xf32, #tpu.memory_space<vmem>> -> memref<2048xf32, #tpu.memory_space<vmem>>
      %dma_wait3A_210 = tpu.memref_slice %arg7[%mul3A_186] : memref<6400000xf32, #tpu.memory_space<hbm>> -> memref<2048xf32, #tpu.memory_space<hbm>>
      tpu.wait_dma2 semaphore(%arg19 : memref<!tpu.dma_semaphore, #tpu.memory_space<semaphore_mem>>) src(%dma_wait3A_210 : memref<2048xf32, #tpu.memory_space<hbm>>) dst(%dma_wait3A_209 : memref<2048xf32, #tpu.memory_space<vmem>>)
      %convert_element_type3A_211 = arith.extui %lt3A : i1 to i32
      %cond3A_212 = arith.constant 0 : i32
      %cond3A_213 = arith.cmpi ne, %convert_element_type3A_211, %cond3A_212 : i32
      scf.if %cond3A_213 {
        %add3A_246 = arith.constant 1 : i32
        %add3A_247 = arith.addi %while3A_142, %add3A_246 : i32
        %mul3A_248 = arith.constant 32 : i32
        %mul3A_249 = arith.muli %add3A_247, %mul3A_248 : i32
        %add3A_250 = arith.addi %add3A, %mul3A_249 : i32
        %mul3A_251 = arith.constant 2048 : i32
        %mul3A_252 = arith.muli %add3A_250, %mul3A_251 : i32
        %dma_start3A_253 = arith.constant 0 : i32
        %dma_start3A_254 = tpu.memref_slice %arg13[%sub3A_147, %dma_start3A_253] : memref<2x2048xf32, #tpu.memory_space<vmem>> -> memref<1x2048xf32, #tpu.memory_space<vmem>>
        %dma_start3A_255 = tpu.memref_squeeze %dma_start3A_254 : memref<1x2048xf32, #tpu.memory_space<vmem>> -> memref<2048xf32, #tpu.memory_space<vmem>>
        %dma_start3A_256 = tpu.memref_slice %arg5[%mul3A_252] : memref<6400000xf32, #tpu.memory_space<hbm>> -> memref<2048xf32, #tpu.memory_space<hbm>>
        %dma_start3A_257 = arith.constant 0 : i32
        %dma_start3A_258 = tpu.memref_slice %arg13[%sub3A_147, %dma_start3A_257] : memref<2x2048xf32, #tpu.memory_space<vmem>> -> memref<1x2048xf32, #tpu.memory_space<vmem>>
        %dma_start3A_259 = tpu.memref_squeeze %dma_start3A_258 : memref<1x2048xf32, #tpu.memory_space<vmem>> -> memref<2048xf32, #tpu.memory_space<vmem>>
        %dma_start3A_260 = tpu.memref_slice %arg5[%mul3A_252] : memref<6400000xf32, #tpu.memory_space<hbm>> -> memref<2048xf32, #tpu.memory_space<hbm>>
        tpu.enqueue_dma source(%dma_start3A_260 : memref<2048xf32, #tpu.memory_space<hbm>>) target(%dma_start3A_259 : memref<2048xf32, #tpu.memory_space<vmem>>) target_semaphore(%arg19 : memref<!tpu.dma_semaphore, #tpu.memory_space<semaphore_mem>>)
        %dma_start3A_261 = arith.constant 0 : i32
        %dma_start3A_262 = tpu.memref_slice %arg14[%sub3A_147, %dma_start3A_261] : memref<2x2048xf32, #tpu.memory_space<vmem>> -> memref<1x2048xf32, #tpu.memory_space<vmem>>
        %dma_start3A_263 = tpu.memref_squeeze %dma_start3A_262 : memref<1x2048xf32, #tpu.memory_space<vmem>> -> memref<2048xf32, #tpu.memory_space<vmem>>
        %dma_start3A_264 = tpu.memref_slice %arg6[%mul3A_252] : memref<6400000xf32, #tpu.memory_space<hbm>> -> memref<2048xf32, #tpu.memory_space<hbm>>
        %dma_start3A_265 = arith.constant 0 : i32
        %dma_start3A_266 = tpu.memref_slice %arg14[%sub3A_147, %dma_start3A_265] : memref<2x2048xf32, #tpu.memory_space<vmem>> -> memref<1x2048xf32, #tpu.memory_space<vmem>>
        %dma_start3A_267 = tpu.memref_squeeze %dma_start3A_266 : memref<1x2048xf32, #tpu.memory_space<vmem>> -> memref<2048xf32, #tpu.memory_space<vmem>>
        %dma_start3A_268 = tpu.memref_slice %arg6[%mul3A_252] : memref<6400000xf32, #tpu.memory_space<hbm>> -> memref<2048xf32, #tpu.memory_space<hbm>>
        tpu.enqueue_dma source(%dma_start3A_268 : memref<2048xf32, #tpu.memory_space<hbm>>) target(%dma_start3A_267 : memref<2048xf32, #tpu.memory_space<vmem>>) target_semaphore(%arg19 : memref<!tpu.dma_semaphore, #tpu.memory_space<semaphore_mem>>)
        %dma_start3A_269 = arith.constant 0 : i32
        %dma_start3A_270 = tpu.memref_slice %arg15[%sub3A_147, %dma_start3A_269] : memref<2x2048xf32, #tpu.memory_space<vmem>> -> memref<1x2048xf32, #tpu.memory_space<vmem>>
        %dma_start3A_271 = tpu.memref_squeeze %dma_start3A_270 : memref<1x2048xf32, #tpu.memory_space<vmem>> -> memref<2048xf32, #tpu.memory_space<vmem>>
        %dma_start3A_272 = tpu.memref_slice %arg7[%mul3A_252] : memref<6400000xf32, #tpu.memory_space<hbm>> -> memref<2048xf32, #tpu.memory_space<hbm>>
        %dma_start3A_273 = arith.constant 0 : i32
        %dma_start3A_274 = tpu.memref_slice %arg15[%sub3A_147, %dma_start3A_273] : memref<2x2048xf32, #tpu.memory_space<vmem>> -> memref<1x2048xf32, #tpu.memory_space<vmem>>
        %dma_start3A_275 = tpu.memref_squeeze %dma_start3A_274 : memref<1x2048xf32, #tpu.memory_space<vmem>> -> memref<2048xf32, #tpu.memory_space<vmem>>
        %dma_start3A_276 = tpu.memref_slice %arg7[%mul3A_252] : memref<6400000xf32, #tpu.memory_space<hbm>> -> memref<2048xf32, #tpu.memory_space<hbm>>
        tpu.enqueue_dma source(%dma_start3A_276 : memref<2048xf32, #tpu.memory_space<hbm>>) target(%dma_start3A_275 : memref<2048xf32, #tpu.memory_space<vmem>>) target_semaphore(%arg19 : memref<!tpu.dma_semaphore, #tpu.memory_space<semaphore_mem>>)
      } else {
      }
      %ge3A = arith.constant 1 : i32
      %ge3A_214 = arith.cmpi sge, %while3A_142, %ge3A : i32
      %convert_element_type3A_215 = arith.extui %ge3A_214 : i1 to i32
      %cond3A_216 = arith.constant 0 : i32
      %cond3A_217 = arith.cmpi ne, %convert_element_type3A_215, %cond3A_216 : i32
      scf.if %cond3A_217 {
        %sub3A_246 = arith.constant 1 : i32
        %sub3A_247 = arith.subi %while3A_142, %sub3A_246 : i32
        %mul3A_248 = arith.constant 32 : i32
        %mul3A_249 = arith.muli %sub3A_247, %mul3A_248 : i32
        %add3A_250 = arith.addi %add3A, %mul3A_249 : i32
        %mul3A_251 = arith.constant 16 : i32
        %mul3A_252 = arith.muli %add3A_250, %mul3A_251 : i32
        %dma_wait3A_253 = arith.constant 0 : i32
        %dma_wait3A_254 = arith.constant 0 : i32
        %dma_wait3A_255 = arith.constant 0 : i32
        %dma_wait3A_256 = tpu.memref_slice %arg16[%sub3A_147, %dma_wait3A_253, %dma_wait3A_254, %dma_wait3A_255] : memref<2x16x8x128xf32, #tpu.memory_space<vmem>> -> memref<1x16x8x128xf32, #tpu.memory_space<vmem>>
        %dma_wait3A_257 = tpu.memref_squeeze %dma_wait3A_256 : memref<1x16x8x128xf32, #tpu.memory_space<vmem>> -> memref<16x8x128xf32, #tpu.memory_space<vmem>>
        %dma_wait3A_258 = arith.constant 0 : i32
        %dma_wait3A_259 = arith.constant 0 : i32
        %dma_wait3A_260 = tpu.memref_slice %arg8[%mul3A_252, %dma_wait3A_258, %dma_wait3A_259] : memref<50000x8x128xf32, #tpu.memory_space<hbm>> -> memref<16x8x128xf32, #tpu.memory_space<hbm>>
        %dma_wait3A_261 = arith.constant 0 : i32
        %dma_wait3A_262 = arith.constant 0 : i32
        %dma_wait3A_263 = tpu.memref_slice %arg8[%mul3A_252, %dma_wait3A_261, %dma_wait3A_262] : memref<50000x8x128xf32, #tpu.memory_space<hbm>> -> memref<16x8x128xf32, #tpu.memory_space<hbm>>
        %dma_wait3A_264 = arith.constant 0 : i32
        %dma_wait3A_265 = arith.constant 0 : i32
        %dma_wait3A_266 = arith.constant 0 : i32
        %dma_wait3A_267 = tpu.memref_slice %arg16[%sub3A_147, %dma_wait3A_264, %dma_wait3A_265, %dma_wait3A_266] : memref<2x16x8x128xf32, #tpu.memory_space<vmem>> -> memref<1x16x8x128xf32, #tpu.memory_space<vmem>>
        %dma_wait3A_268 = tpu.memref_squeeze %dma_wait3A_267 : memref<1x16x8x128xf32, #tpu.memory_space<vmem>> -> memref<16x8x128xf32, #tpu.memory_space<vmem>>
        tpu.wait_dma2 semaphore(%arg20 : memref<!tpu.dma_semaphore, #tpu.memory_space<semaphore_mem>>) src(%dma_wait3A_268 : memref<16x8x128xf32, #tpu.memory_space<vmem>>) dst(%dma_wait3A_263 : memref<16x8x128xf32, #tpu.memory_space<hbm>>)
      } else {
      }
      %scan3A = arith.constant 0 : i32
      %scan3A_218 = arith.constant 0 : i32
      %scan3A_219 = arith.constant 128 : i32
      %scan3A_220 = arith.addi %scan3A_218, %scan3A_219 : i32
      %scan3A_221 = arith.constant 1 : i32
      %scan3A_222 = scf.for %scan3A_246 = %scan3A_218 to %scan3A_220 step %scan3A_221 iter_args(%scan3A_247 = %scan3A) -> (i32)  : i32 {
        %mul3A_248 = arith.constant 16 : i32
        %mul3A_249 = arith.muli %scan3A_246, %mul3A_248 : i32
        %add3A_250 = vector.broadcast %mul3A_249 : i32 to vector<16xi32>
        %add3A_251 = arith.addi %add3A_250, %iota3A : vector<16xi32>
        %shift_right_logical3A_252 = arith.constant 3 : i32
        %shift_right_logical3A_253 = arith.shrui %scan3A_246, %shift_right_logical3A_252 : i32
        %and3A_254 = arith.constant 7 : i32
        %and3A_255 = arith.andi %scan3A_246, %and3A_254 : i32
        %mul3A_256 = arith.constant 16 : i32
        %mul3A_257 = arith.muli %and3A_255, %mul3A_256 : i32
        %gather3A = arith.constant 0 : i32
        %gather3A_258 = arith.constant 0 : i32
        %gather3A_259 = tpu.memref_slice %arg12[%and3A_145, %gather3A, %gather3A_258] : memref<2x2048x8xf32, #tpu.memory_space<vmem>> -> memref<1x2048x8xf32, #tpu.memory_space<vmem>>
        %gather3A_260 = tpu.memref_squeeze %gather3A_259 : memref<1x2048x8xf32, #tpu.memory_space<vmem>> -> memref<2048x8xf32, #tpu.memory_space<vmem>>
        %gather3A_261 = tpu.vector_load_idx %gather3A_260[%add3A_251, %broadcast_in_dim3A_1] : memref<2048x8xf32, #tpu.memory_space<vmem>>[vector<16xi32>, vector<16xi32>], vector<16xf32>,
        %add3A_262 = arith.constant 1 : i32
        %add3A_263 = vector.broadcast %add3A_262 : i32 to vector<16xi32>
        %add3A_264 = arith.addi %broadcast_in_dim3A_1, %add3A_263 : vector<16xi32>
        %gather3A_265 = arith.constant 0 : i32
        %gather3A_266 = arith.constant 0 : i32
        %gather3A_267 = tpu.memref_slice %arg12[%and3A_145, %gather3A_265, %gather3A_266] : memref<2x2048x8xf32, #tpu.memory_space<vmem>> -> memref<1x2048x8xf32, #tpu.memory_space<vmem>>
        %gather3A_268 = tpu.memref_squeeze %gather3A_267 : memref<1x2048x8xf32, #tpu.memory_space<vmem>> -> memref<2048x8xf32, #tpu.memory_space<vmem>>
        %gather3A_269 = tpu.vector_load_idx %gather3A_268[%add3A_251, %add3A_264] : memref<2048x8xf32, #tpu.memory_space<vmem>>[vector<16xi32>, vector<16xi32>], vector<16xf32>,
        %add3A_270 = arith.constant 2 : i32
        %add3A_271 = vector.broadcast %add3A_270 : i32 to vector<16xi32>
        %add3A_272 = arith.addi %broadcast_in_dim3A_1, %add3A_271 : vector<16xi32>
        %gather3A_273 = arith.constant 0 : i32
        %gather3A_274 = arith.constant 0 : i32
        %gather3A_275 = tpu.memref_slice %arg12[%and3A_145, %gather3A_273, %gather3A_274] : memref<2x2048x8xf32, #tpu.memory_space<vmem>> -> memref<1x2048x8xf32, #tpu.memory_space<vmem>>
        %gather3A_276 = tpu.memref_squeeze %gather3A_275 : memref<1x2048x8xf32, #tpu.memory_space<vmem>> -> memref<2048x8xf32, #tpu.memory_space<vmem>>
        %gather3A_277 = tpu.vector_load_idx %gather3A_276[%add3A_251, %add3A_272] : memref<2048x8xf32, #tpu.memory_space<vmem>>[vector<16xi32>, vector<16xi32>], vector<16xf32>,
        %gather3A_278 = arith.constant 0 : i32
        %gather3A_279 = arith.constant 0 : i32
        %gather3A_280 = tpu.memref_slice %arg11[%and3A_145, %gather3A_278, %gather3A_279] : memref<2x2048x8xf32, #tpu.memory_space<vmem>> -> memref<1x2048x8xf32, #tpu.memory_space<vmem>>
        %gather3A_281 = tpu.memref_squeeze %gather3A_280 : memref<1x2048x8xf32, #tpu.memory_space<vmem>> -> memref<2048x8xf32, #tpu.memory_space<vmem>>
        %gather3A_282 = tpu.vector_load_idx %gather3A_281[%add3A_251, %broadcast_in_dim3A_1] : memref<2048x8xf32, #tpu.memory_space<vmem>>[vector<16xi32>, vector<16xi32>], vector<16xf32>,
        %add3A_283 = arith.constant 1 : i32
        %add3A_284 = vector.broadcast %add3A_283 : i32 to vector<16xi32>
        %add3A_285 = arith.addi %broadcast_in_dim3A_1, %add3A_284 : vector<16xi32>
        %gather3A_286 = arith.constant 0 : i32
        %gather3A_287 = arith.constant 0 : i32
        %gather3A_288 = tpu.memref_slice %arg11[%and3A_145, %gather3A_286, %gather3A_287] : memref<2x2048x8xf32, #tpu.memory_space<vmem>> -> memref<1x2048x8xf32, #tpu.memory_space<vmem>>
        %gather3A_289 = tpu.memref_squeeze %gather3A_288 : memref<1x2048x8xf32, #tpu.memory_space<vmem>> -> memref<2048x8xf32, #tpu.memory_space<vmem>>
        %gather3A_290 = tpu.vector_load_idx %gather3A_289[%add3A_251, %add3A_285] : memref<2048x8xf32, #tpu.memory_space<vmem>>[vector<16xi32>, vector<16xi32>], vector<16xf32>,
        %add3A_291 = arith.constant 2 : i32
        %add3A_292 = vector.broadcast %add3A_291 : i32 to vector<16xi32>
        %add3A_293 = arith.addi %broadcast_in_dim3A_1, %add3A_292 : vector<16xi32>
        %gather3A_294 = arith.constant 0 : i32
        %gather3A_295 = arith.constant 0 : i32
        %gather3A_296 = tpu.memref_slice %arg11[%and3A_145, %gather3A_294, %gather3A_295] : memref<2x2048x8xf32, #tpu.memory_space<vmem>> -> memref<1x2048x8xf32, #tpu.memory_space<vmem>>
        %gather3A_297 = tpu.memref_squeeze %gather3A_296 : memref<1x2048x8xf32, #tpu.memory_space<vmem>> -> memref<2048x8xf32, #tpu.memory_space<vmem>>
        %gather3A_298 = tpu.vector_load_idx %gather3A_297[%add3A_251, %add3A_293] : memref<2048x8xf32, #tpu.memory_space<vmem>>[vector<16xi32>, vector<16xi32>], vector<16xf32>,
        %get3A = arith.index_cast %and3A_145 : i32 to index
        %get3A_299 = arith.index_cast %mul3A_249 : i32 to index
        %get3A_300 = tpu.vector_load %arg13[%get3A, %get3A_299] {strides = array<i32>} : memref<2x2048xf32, #tpu.memory_space<vmem>>, vector<16xf32>,
        %get3A_301 = arith.index_cast %and3A_145 : i32 to index
        %get3A_302 = arith.index_cast %mul3A_249 : i32 to index
        %get3A_303 = tpu.vector_load %arg14[%get3A_301, %get3A_302] {strides = array<i32>} : memref<2x2048xf32, #tpu.memory_space<vmem>>, vector<16xf32>,
        %get3A_304 = arith.index_cast %and3A_145 : i32 to index
        %get3A_305 = arith.index_cast %mul3A_249 : i32 to index
        %get3A_306 = tpu.vector_load %arg15[%get3A_304, %get3A_305] {strides = array<i32>} : memref<2x2048xf32, #tpu.memory_space<vmem>>, vector<16xf32>,
        %add3A_307 = arith.addf %gather3A_261, %get3A_300 : vector<16xf32>
        %sub3A_308 = arith.subf %add3A_307, %gather3A_282 : vector<16xf32>
        %add3A_309 = arith.addf %gather3A_269, %get3A_303 : vector<16xf32>
        %sub3A_310 = arith.subf %add3A_309, %gather3A_290 : vector<16xf32>
        %add3A_311 = arith.addf %gather3A_277, %get3A_306 : vector<16xf32>
        %sub3A_312 = arith.subf %add3A_311, %gather3A_298 : vector<16xf32>
        %mul3A_313 = arith.mulf %sub3A_308, %sub3A_308 : vector<16xf32>
        %mul3A_314 = arith.mulf %sub3A_310, %sub3A_310 : vector<16xf32>
        %add3A_315 = arith.addf %mul3A_313, %mul3A_314 : vector<16xf32>
        %mul3A_316 = arith.mulf %sub3A_312, %sub3A_312 : vector<16xf32>
        %add3A_317 = arith.addf %add3A_315, %mul3A_316 : vector<16xf32>
        %bitcast3A = vector.bitcast %add3A_317 : vector<16xf32> to vector<16xi32>
        %shift_right_logical3A_318 = arith.constant 1 : i32
        %shift_right_logical3A_319 = vector.broadcast %shift_right_logical3A_318 : i32 to vector<16xi32>
        %shift_right_logical3A_320 = arith.shrui %bitcast3A, %shift_right_logical3A_319 : vector<16xi32>
        %sub3A_321 = arith.constant 1597463007 : i32
        %sub3A_322 = vector.broadcast %sub3A_321 : i32 to vector<16xi32>
        %sub3A_323 = arith.subi %sub3A_322, %shift_right_logical3A_320 : vector<16xi32>
        %bitcast3A_324 = vector.bitcast %sub3A_323 : vector<16xi32> to vector<16xf32>
        %mul3A_325 = arith.constant 5.000000e-01 : f32
        %mul3A_326 = vector.broadcast %mul3A_325 : f32 to vector<16xf32>
        %mul3A_327 = arith.mulf %mul3A_326, %add3A_317 : vector<16xf32>
        %mul3A_328 = arith.mulf %mul3A_327, %bitcast3A_324 : vector<16xf32>
        %mul3A_329 = arith.mulf %mul3A_328, %bitcast3A_324 : vector<16xf32>
        %sub3A_330 = arith.constant 1.500000e+00 : f32
        %sub3A_331 = vector.broadcast %sub3A_330 : f32 to vector<16xf32>
        %sub3A_332 = arith.subf %sub3A_331, %mul3A_329 : vector<16xf32>
        %mul3A_333 = arith.mulf %bitcast3A_324, %sub3A_332 : vector<16xf32>
        %mul3A_334 = arith.constant 5.000000e-01 : f32
        %mul3A_335 = vector.broadcast %mul3A_334 : f32 to vector<16xf32>
        %mul3A_336 = arith.mulf %mul3A_335, %add3A_317 : vector<16xf32>
        %mul3A_337 = arith.mulf %mul3A_336, %mul3A_333 : vector<16xf32>
        %mul3A_338 = arith.mulf %mul3A_337, %mul3A_333 : vector<16xf32>
        %sub3A_339 = arith.constant 1.500000e+00 : f32
        %sub3A_340 = vector.broadcast %sub3A_339 : f32 to vector<16xf32>
        %sub3A_341 = arith.subf %sub3A_340, %mul3A_338 : vector<16xf32>
        %mul3A_342 = arith.mulf %mul3A_333, %sub3A_341 : vector<16xf32>
        %mul3A_343 = arith.mulf %add3A_317, %mul3A_342 : vector<16xf32>
        %lt3A_344 = arith.constant 3.600000e+01 : f32
        %lt3A_345 = vector.broadcast %lt3A_344 : f32 to vector<16xf32>
        %lt3A_346 = arith.cmpf olt, %add3A_317, %lt3A_345 : vector<16xf32>
        %mul3A_347 = arith.constant 0.166666672 : f32
        %mul3A_348 = vector.broadcast %mul3A_347 : f32 to vector<16xf32>
        %mul3A_349 = arith.mulf %mul3A_343, %mul3A_348 : vector<16xf32>
        %min3A = arith.constant 1.000000e+00 : f32
        %min3A_350 = vector.broadcast %min3A : f32 to vector<16xf32>
        %min3A_351 = arith.minimumf %mul3A_349, %min3A_350 : vector<16xf32>
        %mul3A_352 = arith.constant 1.57079637 : f32
        %mul3A_353 = vector.broadcast %mul3A_352 : f32 to vector<16xf32>
        %mul3A_354 = arith.mulf %min3A_351, %mul3A_353 : vector<16xf32>
        %mul3A_355 = arith.mulf %mul3A_354, %mul3A_354 : vector<16xf32>
        %mul3A_356 = arith.constant 2.75573188E-6 : f32
        %mul3A_357 = vector.broadcast %mul3A_356 : f32 to vector<16xf32>
        %mul3A_358 = arith.mulf %mul3A_355, %mul3A_357 : vector<16xf32>
        %add3A_359 = arith.constant -1.98412701E-4 : f32
        %add3A_360 = vector.broadcast %add3A_359 : f32 to vector<16xf32>
        %add3A_361 = arith.addf %add3A_360, %mul3A_358 : vector<16xf32>
        %mul3A_362 = arith.mulf %mul3A_355, %add3A_361 : vector<16xf32>
        %add3A_363 = arith.constant 0.00833333377 : f32
        %add3A_364 = vector.broadcast %add3A_363 : f32 to vector<16xf32>
        %add3A_365 = arith.addf %add3A_364, %mul3A_362 : vector<16xf32>
        %mul3A_366 = arith.mulf %mul3A_355, %add3A_365 : vector<16xf32>
        %add3A_367 = arith.constant -0.166666672 : f32
        %add3A_368 = vector.broadcast %add3A_367 : f32 to vector<16xf32>
        %add3A_369 = arith.addf %add3A_368, %mul3A_366 : vector<16xf32>
        %mul3A_370 = arith.mulf %mul3A_355, %add3A_369 : vector<16xf32>
        %add3A_371 = arith.constant 1.000000e+00 : f32
        %add3A_372 = vector.broadcast %add3A_371 : f32 to vector<16xf32>
        %add3A_373 = arith.addf %add3A_372, %mul3A_370 : vector<16xf32>
        %mul3A_374 = arith.mulf %mul3A_354, %add3A_373 : vector<16xf32>
        %mul3A_375 = arith.constant -2.755732E-7 : f32
        %mul3A_376 = vector.broadcast %mul3A_375 : f32 to vector<16xf32>
        %mul3A_377 = arith.mulf %mul3A_355, %mul3A_376 : vector<16xf32>
        %add3A_378 = arith.constant 2.48015876E-5 : f32
        %add3A_379 = vector.broadcast %add3A_378 : f32 to vector<16xf32>
        %add3A_380 = arith.addf %add3A_379, %mul3A_377 : vector<16xf32>
        %mul3A_381 = arith.mulf %mul3A_355, %add3A_380 : vector<16xf32>
        %add3A_382 = arith.constant -0.00138888892 : f32
        %add3A_383 = vector.broadcast %add3A_382 : f32 to vector<16xf32>
        %add3A_384 = arith.addf %add3A_383, %mul3A_381 : vector<16xf32>
        %mul3A_385 = arith.mulf %mul3A_355, %add3A_384 : vector<16xf32>
        %add3A_386 = arith.constant 0.0416666679 : f32
        %add3A_387 = vector.broadcast %add3A_386 : f32 to vector<16xf32>
        %add3A_388 = arith.addf %add3A_387, %mul3A_385 : vector<16xf32>
        %mul3A_389 = arith.mulf %mul3A_355, %add3A_388 : vector<16xf32>
        %add3A_390 = arith.constant -5.000000e-01 : f32
        %add3A_391 = vector.broadcast %add3A_390 : f32 to vector<16xf32>
        %add3A_392 = arith.addf %add3A_391, %mul3A_389 : vector<16xf32>
        %mul3A_393 = arith.mulf %mul3A_355, %add3A_392 : vector<16xf32>
        %add3A_394 = arith.constant 1.000000e+00 : f32
        %add3A_395 = vector.broadcast %add3A_394 : f32 to vector<16xf32>
        %add3A_396 = arith.addf %add3A_395, %mul3A_393 : vector<16xf32>
        %mul3A_397 = arith.constant 2.000000e+00 : f32
        %mul3A_398 = vector.broadcast %mul3A_397 : f32 to vector<16xf32>
        %mul3A_399 = arith.mulf %mul3A_398, %mul3A_374 : vector<16xf32>
        %mul3A_400 = arith.mulf %mul3A_399, %add3A_396 : vector<16xf32>
        %mul3A_401 = arith.constant 2.000000e+00 : f32
        %mul3A_402 = vector.broadcast %mul3A_401 : f32 to vector<16xf32>
        %mul3A_403 = arith.mulf %mul3A_402, %mul3A_374 : vector<16xf32>
        %mul3A_404 = arith.mulf %mul3A_403, %mul3A_374 : vector<16xf32>
        %sub3A_405 = arith.constant 1.000000e+00 : f32
        %sub3A_406 = vector.broadcast %sub3A_405 : f32 to vector<16xf32>
        %sub3A_407 = arith.subf %sub3A_406, %mul3A_404 : vector<16xf32>
        %mul3A_408 = arith.constant 2.000000e+00 : f32
        %mul3A_409 = vector.broadcast %mul3A_408 : f32 to vector<16xf32>
        %mul3A_410 = arith.mulf %mul3A_409, %sub3A_407 : vector<16xf32>
        %mul3A_411 = arith.mulf %min3A_351, %min3A_351 : vector<16xf32>
        %mul3A_412 = arith.mulf %mul3A_411, %mul3A_411 : vector<16xf32>
        %mul3A_413 = arith.mulf %mul3A_412, %mul3A_411 : vector<16xf32>
        %mul3A_414 = arith.constant 2.100000e+01 : f32
        %mul3A_415 = vector.broadcast %mul3A_414 : f32 to vector<16xf32>
        %mul3A_416 = arith.mulf %mul3A_415, %min3A_351 : vector<16xf32>
        %sub3A_417 = arith.constant 4.800000e+01 : f32
        %sub3A_418 = vector.broadcast %sub3A_417 : f32 to vector<16xf32>
        %sub3A_419 = arith.subf %sub3A_418, %mul3A_416 : vector<16xf32>
        %mul3A_420 = arith.mulf %min3A_351, %sub3A_419 : vector<16xf32>
        %add3A_421 = arith.constant -2.800000e+01 : f32
        %add3A_422 = vector.broadcast %add3A_421 : f32 to vector<16xf32>
        %add3A_423 = arith.addf %add3A_422, %mul3A_420 : vector<16xf32>
        %mul3A_424 = arith.mulf %mul3A_413, %add3A_423 : vector<16xf32>
        %add3A_425 = arith.constant 1.000000e+00 : f32
        %add3A_426 = vector.broadcast %add3A_425 : f32 to vector<16xf32>
        %add3A_427 = arith.addf %add3A_426, %mul3A_424 : vector<16xf32>
        %mul3A_428 = arith.mulf %add3A_427, %mul3A_342 : vector<16xf32>
        %mul3A_429 = arith.constant 0.333333343 : f32
        %mul3A_430 = vector.broadcast %mul3A_429 : f32 to vector<16xf32>
        %mul3A_431 = arith.mulf %mul3A_428, %mul3A_430 : vector<16xf32>
        %jit3A = arith.constant 0.000000e+00 : f32
        %broadcast_in_dim3A_432 = vector.broadcast %jit3A : f32 to vector<16xf32>
        %select_n3A = arith.select %lt3A_346, %mul3A_431, %broadcast_in_dim3A_432 : vector<16xi1>, vector<16xf32>
        %broadcast_in_dim3A_433 = arith.constant 0.000000e+00 : f32
        %broadcast_in_dim3A_434 = vector.broadcast %broadcast_in_dim3A_433 : f32 to vector<16xf32>
        %mul3A_435 = arith.mulf %mul3A_400, %select_n3A : vector<16xf32>
        %swap3A = arith.constant 0 : i32
        %swap3A_436 = arith.index_cast %and3A_145 : i32 to index
        %swap3A_437 = arith.index_cast %shift_right_logical3A_253 : i32 to index
        %swap3A_438 = arith.index_cast %swap3A : i32 to index
        %swap3A_439 = arith.index_cast %mul3A_257 : i32 to index
        %swap3A_440 = tpu.vector_load %arg16[%swap3A_436, %swap3A_437, %swap3A_438, %swap3A_439] {strides = array<i32>} : memref<2x16x8x128xf32, #tpu.memory_space<vmem>>, vector<16xf32>,
        tpu.vector_store %arg16[%swap3A_436, %swap3A_437, %swap3A_438, %swap3A_439], %mul3A_435 {strides = array<i32>} : memref<2x16x8x128xf32, #tpu.memory_space<vmem>>, vector<16xf32>,
        %mul3A_441 = arith.mulf %mul3A_410, %mul3A_400 : vector<16xf32>
        %sub3A_442 = arith.subf %mul3A_441, %broadcast_in_dim3A_434 : vector<16xf32>
        %mul3A_443 = arith.mulf %sub3A_442, %select_n3A : vector<16xf32>
        %swap3A_444 = arith.constant 1 : i32
        %swap3A_445 = arith.index_cast %and3A_145 : i32 to index
        %swap3A_446 = arith.index_cast %shift_right_logical3A_253 : i32 to index
        %swap3A_447 = arith.index_cast %swap3A_444 : i32 to index
        %swap3A_448 = arith.index_cast %mul3A_257 : i32 to index
        %swap3A_449 = tpu.vector_load %arg16[%swap3A_445, %swap3A_446, %swap3A_447, %swap3A_448] {strides = array<i32>} : memref<2x16x8x128xf32, #tpu.memory_space<vmem>>, vector<16xf32>,
        tpu.vector_store %arg16[%swap3A_445, %swap3A_446, %swap3A_447, %swap3A_448], %mul3A_443 {strides = array<i32>} : memref<2x16x8x128xf32, #tpu.memory_space<vmem>>, vector<16xf32>,
        %mul3A_450 = arith.mulf %mul3A_410, %sub3A_442 : vector<16xf32>
        %sub3A_451 = arith.subf %mul3A_450, %mul3A_400 : vector<16xf32>
        %mul3A_452 = arith.mulf %sub3A_451, %select_n3A : vector<16xf32>
        %swap3A_453 = arith.constant 2 : i32
        %swap3A_454 = arith.index_cast %and3A_145 : i32 to index
        %swap3A_455 = arith.index_cast %shift_right_logical3A_253 : i32 to index
        %swap3A_456 = arith.index_cast %swap3A_453 : i32 to index
        %swap3A_457 = arith.index_cast %mul3A_257 : i32 to index
        %swap3A_458 = tpu.vector_load %arg16[%swap3A_454, %swap3A_455, %swap3A_456, %swap3A_457] {strides = array<i32>} : memref<2x16x8x128xf32, #tpu.memory_space<vmem>>, vector<16xf32>,
        tpu.vector_store %arg16[%swap3A_454, %swap3A_455, %swap3A_456, %swap3A_457], %mul3A_452 {strides = array<i32>} : memref<2x16x8x128xf32, #tpu.memory_space<vmem>>, vector<16xf32>,
        %mul3A_459 = arith.mulf %mul3A_410, %sub3A_451 : vector<16xf32>
        %sub3A_460 = arith.subf %mul3A_459, %sub3A_442 : vector<16xf32>
        %mul3A_461 = arith.mulf %sub3A_460, %select_n3A : vector<16xf32>
        %swap3A_462 = arith.constant 3 : i32
        %swap3A_463 = arith.index_cast %and3A_145 : i32 to index
        %swap3A_464 = arith.index_cast %shift_right_logical3A_253 : i32 to index
        %swap3A_465 = arith.index_cast %swap3A_462 : i32 to index
        %swap3A_466 = arith.index_cast %mul3A_257 : i32 to index
        %swap3A_467 = tpu.vector_load %arg16[%swap3A_463, %swap3A_464, %swap3A_465, %swap3A_466] {strides = array<i32>} : memref<2x16x8x128xf32, #tpu.memory_space<vmem>>, vector<16xf32>,
        tpu.vector_store %arg16[%swap3A_463, %swap3A_464, %swap3A_465, %swap3A_466], %mul3A_461 {strides = array<i32>} : memref<2x16x8x128xf32, #tpu.memory_space<vmem>>, vector<16xf32>,
        %mul3A_468 = arith.mulf %mul3A_410, %sub3A_460 : vector<16xf32>
        %sub3A_469 = arith.subf %mul3A_468, %sub3A_451 : vector<16xf32>
        %mul3A_470 = arith.mulf %sub3A_469, %select_n3A : vector<16xf32>
        %swap3A_471 = arith.constant 4 : i32
        %swap3A_472 = arith.index_cast %and3A_145 : i32 to index
        %swap3A_473 = arith.index_cast %shift_right_logical3A_253 : i32 to index
        %swap3A_474 = arith.index_cast %swap3A_471 : i32 to index
        %swap3A_475 = arith.index_cast %mul3A_257 : i32 to index
        %swap3A_476 = tpu.vector_load %arg16[%swap3A_472, %swap3A_473, %swap3A_474, %swap3A_475] {strides = array<i32>} : memref<2x16x8x128xf32, #tpu.memory_space<vmem>>, vector<16xf32>,
        tpu.vector_store %arg16[%swap3A_472, %swap3A_473, %swap3A_474, %swap3A_475], %mul3A_470 {strides = array<i32>} : memref<2x16x8x128xf32, #tpu.memory_space<vmem>>, vector<16xf32>,
        %mul3A_477 = arith.mulf %mul3A_410, %sub3A_469 : vector<16xf32>
        %sub3A_478 = arith.subf %mul3A_477, %sub3A_460 : vector<16xf32>
        %mul3A_479 = arith.mulf %sub3A_478, %select_n3A : vector<16xf32>
        %swap3A_480 = arith.constant 5 : i32
        %swap3A_481 = arith.index_cast %and3A_145 : i32 to index
        %swap3A_482 = arith.index_cast %shift_right_logical3A_253 : i32 to index
        %swap3A_483 = arith.index_cast %swap3A_480 : i32 to index
        %swap3A_484 = arith.index_cast %mul3A_257 : i32 to index
        %swap3A_485 = tpu.vector_load %arg16[%swap3A_481, %swap3A_482, %swap3A_483, %swap3A_484] {strides = array<i32>} : memref<2x16x8x128xf32, #tpu.memory_space<vmem>>, vector<16xf32>,
        tpu.vector_store %arg16[%swap3A_481, %swap3A_482, %swap3A_483, %swap3A_484], %mul3A_479 {strides = array<i32>} : memref<2x16x8x128xf32, #tpu.memory_space<vmem>>, vector<16xf32>,
        %mul3A_486 = arith.mulf %mul3A_410, %sub3A_478 : vector<16xf32>
        %sub3A_487 = arith.subf %mul3A_486, %sub3A_469 : vector<16xf32>
        %mul3A_488 = arith.mulf %sub3A_487, %select_n3A : vector<16xf32>
        %swap3A_489 = arith.constant 6 : i32
        %swap3A_490 = arith.index_cast %and3A_145 : i32 to index
        %swap3A_491 = arith.index_cast %shift_right_logical3A_253 : i32 to index
        %swap3A_492 = arith.index_cast %swap3A_489 : i32 to index
        %swap3A_493 = arith.index_cast %mul3A_257 : i32 to index
        %swap3A_494 = tpu.vector_load %arg16[%swap3A_490, %swap3A_491, %swap3A_492, %swap3A_493] {strides = array<i32>} : memref<2x16x8x128xf32, #tpu.memory_space<vmem>>, vector<16xf32>,
        tpu.vector_store %arg16[%swap3A_490, %swap3A_491, %swap3A_492, %swap3A_493], %mul3A_488 {strides = array<i32>} : memref<2x16x8x128xf32, #tpu.memory_space<vmem>>, vector<16xf32>,
        %mul3A_495 = arith.mulf %mul3A_410, %sub3A_487 : vector<16xf32>
        %sub3A_496 = arith.subf %mul3A_495, %sub3A_478 : vector<16xf32>
        %mul3A_497 = arith.mulf %sub3A_496, %select_n3A : vector<16xf32>
        %swap3A_498 = arith.constant 7 : i32
        %swap3A_499 = arith.index_cast %and3A_145 : i32 to index
        %swap3A_500 = arith.index_cast %shift_right_logical3A_253 : i32 to index
        %swap3A_501 = arith.index_cast %swap3A_498 : i32 to index
        %swap3A_502 = arith.index_cast %mul3A_257 : i32 to index
        %swap3A_503 = tpu.vector_load %arg16[%swap3A_499, %swap3A_500, %swap3A_501, %swap3A_502] {strides = array<i32>} : memref<2x16x8x128xf32, #tpu.memory_space<vmem>>, vector<16xf32>,
        tpu.vector_store %arg16[%swap3A_499, %swap3A_500, %swap3A_501, %swap3A_502], %mul3A_497 {strides = array<i32>} : memref<2x16x8x128xf32, #tpu.memory_space<vmem>>, vector<16xf32>,
        %mul3A_504 = arith.mulf %mul3A_410, %sub3A_496 : vector<16xf32>
        %sub3A_505 = arith.subf %mul3A_504, %sub3A_487 : vector<16xf32>
        %scan3A_506 = arith.constant 0 : i32
        scf.yield %scan3A_506 : i32
      }
      %scan3A_223 = arith.constant 128 : i32
      %mul3A_224 = arith.constant 32 : i32
      %mul3A_225 = arith.muli %while3A_142, %mul3A_224 : i32
      %add3A_226 = arith.addi %add3A, %mul3A_225 : i32
      %mul3A_227 = arith.constant 16 : i32
      %mul3A_228 = arith.muli %add3A_226, %mul3A_227 : i32
      %dma_start3A_229 = arith.constant 0 : i32
      %dma_start3A_230 = arith.constant 0 : i32
      %dma_start3A_231 = arith.constant 0 : i32
      %dma_start3A_232 = tpu.memref_slice %arg16[%and3A_145, %dma_start3A_229, %dma_start3A_230, %dma_start3A_231] : memref<2x16x8x128xf32, #tpu.memory_space<vmem>> -> memref<1x16x8x128xf32, #tpu.memory_space<vmem>>
      %dma_start3A_233 = tpu.memref_squeeze %dma_start3A_232 : memref<1x16x8x128xf32, #tpu.memory_space<vmem>> -> memref<16x8x128xf32, #tpu.memory_space<vmem>>
      %dma_start3A_234 = arith.constant 0 : i32
      %dma_start3A_235 = arith.constant 0 : i32
      %dma_start3A_236 = tpu.memref_slice %arg8[%mul3A_228, %dma_start3A_234, %dma_start3A_235] : memref<50000x8x128xf32, #tpu.memory_space<hbm>> -> memref<16x8x128xf32, #tpu.memory_space<hbm>>
      %dma_start3A_237 = arith.constant 0 : i32
      %dma_start3A_238 = arith.constant 0 : i32
      %dma_start3A_239 = tpu.memref_slice %arg8[%mul3A_228, %dma_start3A_237, %dma_start3A_238] : memref<50000x8x128xf32, #tpu.memory_space<hbm>> -> memref<16x8x128xf32, #tpu.memory_space<hbm>>
      %dma_start3A_240 = arith.constant 0 : i32
      %dma_start3A_241 = arith.constant 0 : i32
      %dma_start3A_242 = arith.constant 0 : i32
      %dma_start3A_243 = tpu.memref_slice %arg16[%and3A_145, %dma_start3A_240, %dma_start3A_241, %dma_start3A_242] : memref<2x16x8x128xf32, #tpu.memory_space<vmem>> -> memref<1x16x8x128xf32, #tpu.memory_space<vmem>>
      %dma_start3A_244 = tpu.memref_squeeze %dma_start3A_243 : memref<1x16x8x128xf32, #tpu.memory_space<vmem>> -> memref<16x8x128xf32, #tpu.memory_space<vmem>>
      tpu.enqueue_dma source(%dma_start3A_244 : memref<16x8x128xf32, #tpu.memory_space<vmem>>) target(%dma_start3A_239 : memref<16x8x128xf32, #tpu.memory_space<hbm>>) target_semaphore(%arg20 : memref<!tpu.dma_semaphore, #tpu.memory_space<semaphore_mem>>)
      %while3A_245 = arith.constant 0 : i32
      scf.yield %while3A_245 : i32
    }
    %while3A_114 = arith.constant 1 : i32
    %while3A_115 = scf.for %while3A_142 = %while3A_111 to %while3A_107 step %while3A_114 iter_args(%while3A_143 = %while3A_113) -> (i32)  : i32 {
      %and3A_144 = arith.constant 1 : i32
      %and3A_145 = arith.andi %while3A_142, %and3A_144 : i32
      %sub3A_146 = arith.constant 1 : i32
      %sub3A_147 = arith.subi %sub3A_146, %and3A_145 : i32
      %add3A_148 = arith.constant 1 : i32
      %add3A_149 = arith.addi %while3A_142, %add3A_148 : i32
      %lt3A = arith.cmpi slt, %add3A_149, %add3A_5 : i32
      %convert_element_type3A_150 = arith.extui %lt3A : i1 to i32
      %cond3A_151 = arith.constant 0 : i32
      %cond3A_152 = arith.cmpi ne, %convert_element_type3A_150, %cond3A_151 : i32
      scf.if %cond3A_152 {
        %add3A_246 = arith.constant 1 : i32
        %add3A_247 = arith.addi %while3A_142, %add3A_246 : i32
        %mul3A_248 = arith.constant 32 : i32
        %mul3A_249 = arith.muli %add3A_247, %mul3A_248 : i32
        %add3A_250 = arith.addi %add3A, %mul3A_249 : i32
        %mul3A_251 = arith.constant 2048 : i32
        %mul3A_252 = arith.muli %add3A_250, %mul3A_251 : i32
        %dma_wait3A_253 = arith.constant 0 : i32
        %dma_wait3A_254 = tpu.memref_slice %arg9[%sub3A_147, %dma_wait3A_253] : memref<2x2048xi32, #tpu.memory_space<vmem>> -> memref<1x2048xi32, #tpu.memory_space<vmem>>
        %dma_wait3A_255 = tpu.memref_squeeze %dma_wait3A_254 : memref<1x2048xi32, #tpu.memory_space<vmem>> -> memref<2048xi32, #tpu.memory_space<vmem>>
        %dma_wait3A_256 = tpu.memref_slice %arg3[%mul3A_252] : memref<6400000xi32, #tpu.memory_space<hbm>> -> memref<2048xi32, #tpu.memory_space<hbm>>
        %dma_wait3A_257 = arith.constant 0 : i32
        %dma_wait3A_258 = tpu.memref_slice %arg9[%sub3A_147, %dma_wait3A_257] : memref<2x2048xi32, #tpu.memory_space<vmem>> -> memref<1x2048xi32, #tpu.memory_space<vmem>>
        %dma_wait3A_259 = tpu.memref_squeeze %dma_wait3A_258 : memref<1x2048xi32, #tpu.memory_space<vmem>> -> memref<2048xi32, #tpu.memory_space<vmem>>
        %dma_wait3A_260 = tpu.memref_slice %arg3[%mul3A_252] : memref<6400000xi32, #tpu.memory_space<hbm>> -> memref<2048xi32, #tpu.memory_space<hbm>>
        tpu.wait_dma2 semaphore(%arg17 : memref<!tpu.dma_semaphore, #tpu.memory_space<semaphore_mem>>) src(%dma_wait3A_260 : memref<2048xi32, #tpu.memory_space<hbm>>) dst(%dma_wait3A_259 : memref<2048xi32, #tpu.memory_space<vmem>>)
        %dma_wait3A_261 = arith.constant 0 : i32
        %dma_wait3A_262 = tpu.memref_slice %arg10[%sub3A_147, %dma_wait3A_261] : memref<2x2048xi32, #tpu.memory_space<vmem>> -> memref<1x2048xi32, #tpu.memory_space<vmem>>
        %dma_wait3A_263 = tpu.memref_squeeze %dma_wait3A_262 : memref<1x2048xi32, #tpu.memory_space<vmem>> -> memref<2048xi32, #tpu.memory_space<vmem>>
        %dma_wait3A_264 = tpu.memref_slice %arg4[%mul3A_252] : memref<6400000xi32, #tpu.memory_space<hbm>> -> memref<2048xi32, #tpu.memory_space<hbm>>
        %dma_wait3A_265 = arith.constant 0 : i32
        %dma_wait3A_266 = tpu.memref_slice %arg10[%sub3A_147, %dma_wait3A_265] : memref<2x2048xi32, #tpu.memory_space<vmem>> -> memref<1x2048xi32, #tpu.memory_space<vmem>>
        %dma_wait3A_267 = tpu.memref_squeeze %dma_wait3A_266 : memref<1x2048xi32, #tpu.memory_space<vmem>> -> memref<2048xi32, #tpu.memory_space<vmem>>
        %dma_wait3A_268 = tpu.memref_slice %arg4[%mul3A_252] : memref<6400000xi32, #tpu.memory_space<hbm>> -> memref<2048xi32, #tpu.memory_space<hbm>>
        tpu.wait_dma2 semaphore(%arg17 : memref<!tpu.dma_semaphore, #tpu.memory_space<semaphore_mem>>) src(%dma_wait3A_268 : memref<2048xi32, #tpu.memory_space<hbm>>) dst(%dma_wait3A_267 : memref<2048xi32, #tpu.memory_space<vmem>>)
      } else {
      }
      %dma_wait3A_153 = arith.constant 0 : i32
      %dma_wait3A_154 = arith.constant 0 : i32
      %dma_wait3A_155 = tpu.memref_slice %arg11[%and3A_145, %dma_wait3A_153, %dma_wait3A_154] : memref<2x2048x8xf32, #tpu.memory_space<vmem>> -> memref<1x2048x8xf32, #tpu.memory_space<vmem>>
      %dma_wait3A_156 = tpu.memref_squeeze %dma_wait3A_155 : memref<1x2048x8xf32, #tpu.memory_space<vmem>> -> memref<2048x8xf32, #tpu.memory_space<vmem>>
      %dma_wait3A_157 = arith.constant 0 : i32
      %dma_wait3A_158 = tpu.memref_slice %arg9[%and3A_145, %dma_wait3A_157] : memref<2x2048xi32, #tpu.memory_space<vmem>> -> memref<1x2048xi32, #tpu.memory_space<vmem>>
      %dma_wait3A_159 = tpu.memref_squeeze %dma_wait3A_158 : memref<1x2048xi32, #tpu.memory_space<vmem>> -> memref<2048xi32, #tpu.memory_space<vmem>>
      %dma_wait3A_160 = arith.constant 0 : i32
      %dma_wait3A_161 = arith.constant 0 : i32
      %dma_wait3A_162 = tpu.memref_slice %arg2[%dma_wait3A_160, %dma_wait3A_161] : memref<100000x8xf32, #tpu.memory_space<hbm>> -> memref<100000x8xf32, #tpu.memory_space<hbm>>
      tpu.wait_indirect_dma semaphore(%arg18 : memref<!tpu.dma_semaphore, #tpu.memory_space<semaphore_mem>>) src(%dma_wait3A_162 : memref<100000x8xf32, #tpu.memory_space<hbm>>) dst(%dma_wait3A_156 : memref<2048x8xf32, #tpu.memory_space<vmem>>)
      %dma_wait3A_163 = arith.constant 0 : i32
      %dma_wait3A_164 = arith.constant 0 : i32
      %dma_wait3A_165 = tpu.memref_slice %arg12[%and3A_145, %dma_wait3A_163, %dma_wait3A_164] : memref<2x2048x8xf32, #tpu.memory_space<vmem>> -> memref<1x2048x8xf32, #tpu.memory_space<vmem>>
      %dma_wait3A_166 = tpu.memref_squeeze %dma_wait3A_165 : memref<1x2048x8xf32, #tpu.memory_space<vmem>> -> memref<2048x8xf32, #tpu.memory_space<vmem>>
      %dma_wait3A_167 = arith.constant 0 : i32
      %dma_wait3A_168 = tpu.memref_slice %arg10[%and3A_145, %dma_wait3A_167] : memref<2x2048xi32, #tpu.memory_space<vmem>> -> memref<1x2048xi32, #tpu.memory_space<vmem>>
      %dma_wait3A_169 = tpu.memref_squeeze %dma_wait3A_168 : memref<1x2048xi32, #tpu.memory_space<vmem>> -> memref<2048xi32, #tpu.memory_space<vmem>>
      %dma_wait3A_170 = arith.constant 0 : i32
      %dma_wait3A_171 = arith.constant 0 : i32
      %dma_wait3A_172 = tpu.memref_slice %arg2[%dma_wait3A_170, %dma_wait3A_171] : memref<100000x8xf32, #tpu.memory_space<hbm>> -> memref<100000x8xf32, #tpu.memory_space<hbm>>
      tpu.wait_indirect_dma semaphore(%arg18 : memref<!tpu.dma_semaphore, #tpu.memory_space<semaphore_mem>>) src(%dma_wait3A_172 : memref<100000x8xf32, #tpu.memory_space<hbm>>) dst(%dma_wait3A_166 : memref<2048x8xf32, #tpu.memory_space<vmem>>)
      %convert_element_type3A_173 = arith.extui %lt3A : i1 to i32
      %cond3A_174 = arith.constant 0 : i32
      %cond3A_175 = arith.cmpi ne, %convert_element_type3A_173, %cond3A_174 : i32
      scf.if %cond3A_175 {
        %dma_start3A_246 = arith.constant 0 : i32
        %dma_start3A_247 = arith.constant 0 : i32
        %dma_start3A_248 = tpu.memref_slice %arg11[%sub3A_147, %dma_start3A_246, %dma_start3A_247] : memref<2x2048x8xf32, #tpu.memory_space<vmem>> -> memref<1x2048x8xf32, #tpu.memory_space<vmem>>
        %dma_start3A_249 = tpu.memref_squeeze %dma_start3A_248 : memref<1x2048x8xf32, #tpu.memory_space<vmem>> -> memref<2048x8xf32, #tpu.memory_space<vmem>>
        %dma_start3A_250 = arith.constant 0 : i32
        %dma_start3A_251 = tpu.memref_slice %arg9[%sub3A_147, %dma_start3A_250] : memref<2x2048xi32, #tpu.memory_space<vmem>> -> memref<1x2048xi32, #tpu.memory_space<vmem>>
        %dma_start3A_252 = tpu.memref_squeeze %dma_start3A_251 : memref<1x2048xi32, #tpu.memory_space<vmem>> -> memref<2048xi32, #tpu.memory_space<vmem>>
        %dma_start3A_253 = arith.constant 0 : i32
        %dma_start3A_254 = arith.constant 0 : i32
        %dma_start3A_255 = tpu.memref_slice %arg2[%dma_start3A_253, %dma_start3A_254] : memref<100000x8xf32, #tpu.memory_space<hbm>> -> memref<100000x8xf32, #tpu.memory_space<hbm>>
        tpu.enqueue_indirect_dma source(%dma_start3A_255 : memref<100000x8xf32, #tpu.memory_space<hbm>>) target(%dma_start3A_249 : memref<2048x8xf32, #tpu.memory_space<vmem>>) offsets(%dma_start3A_252 : memref<2048xi32, #tpu.memory_space<vmem>>) semaphore(%arg18 : memref<!tpu.dma_semaphore, #tpu.memory_space<semaphore_mem>>)
        %dma_start3A_256 = arith.constant 0 : i32
        %dma_start3A_257 = arith.constant 0 : i32
        %dma_start3A_258 = tpu.memref_slice %arg12[%sub3A_147, %dma_start3A_256, %dma_start3A_257] : memref<2x2048x8xf32, #tpu.memory_space<vmem>> -> memref<1x2048x8xf32, #tpu.memory_space<vmem>>
        %dma_start3A_259 = tpu.memref_squeeze %dma_start3A_258 : memref<1x2048x8xf32, #tpu.memory_space<vmem>> -> memref<2048x8xf32, #tpu.memory_space<vmem>>
        %dma_start3A_260 = arith.constant 0 : i32
        %dma_start3A_261 = tpu.memref_slice %arg10[%sub3A_147, %dma_start3A_260] : memref<2x2048xi32, #tpu.memory_space<vmem>> -> memref<1x2048xi32, #tpu.memory_space<vmem>>
        %dma_start3A_262 = tpu.memref_squeeze %dma_start3A_261 : memref<1x2048xi32, #tpu.memory_space<vmem>> -> memref<2048xi32, #tpu.memory_space<vmem>>
        %dma_start3A_263 = arith.constant 0 : i32
        %dma_start3A_264 = arith.constant 0 : i32
        %dma_start3A_265 = tpu.memref_slice %arg2[%dma_start3A_263, %dma_start3A_264] : memref<100000x8xf32, #tpu.memory_space<hbm>> -> memref<100000x8xf32, #tpu.memory_space<hbm>>
        tpu.enqueue_indirect_dma source(%dma_start3A_265 : memref<100000x8xf32, #tpu.memory_space<hbm>>) target(%dma_start3A_259 : memref<2048x8xf32, #tpu.memory_space<vmem>>) offsets(%dma_start3A_262 : memref<2048xi32, #tpu.memory_space<vmem>>) semaphore(%arg18 : memref<!tpu.dma_semaphore, #tpu.memory_space<semaphore_mem>>)
      } else {
      }
      %add3A_176 = arith.constant 2 : i32
      %add3A_177 = arith.addi %while3A_142, %add3A_176 : i32
      %lt3A_178 = arith.cmpi slt, %add3A_177, %add3A_5 : i32
      %convert_element_type3A_179 = arith.extui %lt3A_178 : i1 to i32
      %cond3A_180 = arith.constant 0 : i32
      %cond3A_181 = arith.cmpi ne, %convert_element_type3A_179, %cond3A_180 : i32
      scf.if %cond3A_181 {
        %add3A_246 = arith.constant 2 : i32
        %add3A_247 = arith.addi %while3A_142, %add3A_246 : i32
        %mul3A_248 = arith.constant 32 : i32
        %mul3A_249 = arith.muli %add3A_247, %mul3A_248 : i32
        %add3A_250 = arith.addi %add3A, %mul3A_249 : i32
        %mul3A_251 = arith.constant 2048 : i32
        %mul3A_252 = arith.muli %add3A_250, %mul3A_251 : i32
        %dma_start3A_253 = arith.constant 0 : i32
        %dma_start3A_254 = tpu.memref_slice %arg9[%and3A_145, %dma_start3A_253] : memref<2x2048xi32, #tpu.memory_space<vmem>> -> memref<1x2048xi32, #tpu.memory_space<vmem>>
        %dma_start3A_255 = tpu.memref_squeeze %dma_start3A_254 : memref<1x2048xi32, #tpu.memory_space<vmem>> -> memref<2048xi32, #tpu.memory_space<vmem>>
        %dma_start3A_256 = tpu.memref_slice %arg3[%mul3A_252] : memref<6400000xi32, #tpu.memory_space<hbm>> -> memref<2048xi32, #tpu.memory_space<hbm>>
        %dma_start3A_257 = arith.constant 0 : i32
        %dma_start3A_258 = tpu.memref_slice %arg9[%and3A_145, %dma_start3A_257] : memref<2x2048xi32, #tpu.memory_space<vmem>> -> memref<1x2048xi32, #tpu.memory_space<vmem>>
        %dma_start3A_259 = tpu.memref_squeeze %dma_start3A_258 : memref<1x2048xi32, #tpu.memory_space<vmem>> -> memref<2048xi32, #tpu.memory_space<vmem>>
        %dma_start3A_260 = tpu.memref_slice %arg3[%mul3A_252] : memref<6400000xi32, #tpu.memory_space<hbm>> -> memref<2048xi32, #tpu.memory_space<hbm>>
        tpu.enqueue_dma source(%dma_start3A_260 : memref<2048xi32, #tpu.memory_space<hbm>>) target(%dma_start3A_259 : memref<2048xi32, #tpu.memory_space<vmem>>) target_semaphore(%arg17 : memref<!tpu.dma_semaphore, #tpu.memory_space<semaphore_mem>>)
        %dma_start3A_261 = arith.constant 0 : i32
        %dma_start3A_262 = tpu.memref_slice %arg10[%and3A_145, %dma_start3A_261] : memref<2x2048xi32, #tpu.memory_space<vmem>> -> memref<1x2048xi32, #tpu.memory_space<vmem>>
        %dma_start3A_263 = tpu.memref_squeeze %dma_start3A_262 : memref<1x2048xi32, #tpu.memory_space<vmem>> -> memref<2048xi32, #tpu.memory_space<vmem>>
        %dma_start3A_264 = tpu.memref_slice %arg4[%mul3A_252] : memref<6400000xi32, #tpu.memory_space<hbm>> -> memref<2048xi32, #tpu.memory_space<hbm>>
        %dma_start3A_265 = arith.constant 0 : i32
        %dma_start3A_266 = tpu.memref_slice %arg10[%and3A_145, %dma_start3A_265] : memref<2x2048xi32, #tpu.memory_space<vmem>> -> memref<1x2048xi32, #tpu.memory_space<vmem>>
        %dma_start3A_267 = tpu.memref_squeeze %dma_start3A_266 : memref<1x2048xi32, #tpu.memory_space<vmem>> -> memref<2048xi32, #tpu.memory_space<vmem>>
        %dma_start3A_268 = tpu.memref_slice %arg4[%mul3A_252] : memref<6400000xi32, #tpu.memory_space<hbm>> -> memref<2048xi32, #tpu.memory_space<hbm>>
        tpu.enqueue_dma source(%dma_start3A_268 : memref<2048xi32, #tpu.memory_space<hbm>>) target(%dma_start3A_267 : memref<2048xi32, #tpu.memory_space<vmem>>) target_semaphore(%arg17 : memref<!tpu.dma_semaphore, #tpu.memory_space<semaphore_mem>>)
      } else {
      }
      %mul3A_182 = arith.constant 32 : i32
      %mul3A_183 = arith.muli %while3A_142, %mul3A_182 : i32
      %add3A_184 = arith.addi %add3A, %mul3A_183 : i32
      %mul3A_185 = arith.constant 2048 : i32
      %mul3A_186 = arith.muli %add3A_184, %mul3A_185 : i32
      %dma_wait3A_187 = arith.constant 0 : i32
      %dma_wait3A_188 = tpu.memref_slice %arg13[%and3A_145, %dma_wait3A_187] : memref<2x2048xf32, #tpu.memory_space<vmem>> -> memref<1x2048xf32, #tpu.memory_space<vmem>>
      %dma_wait3A_189 = tpu.memref_squeeze %dma_wait3A_188 : memref<1x2048xf32, #tpu.memory_space<vmem>> -> memref<2048xf32, #tpu.memory_space<vmem>>
      %dma_wait3A_190 = tpu.memref_slice %arg5[%mul3A_186] : memref<6400000xf32, #tpu.memory_space<hbm>> -> memref<2048xf32, #tpu.memory_space<hbm>>
      %dma_wait3A_191 = arith.constant 0 : i32
      %dma_wait3A_192 = tpu.memref_slice %arg13[%and3A_145, %dma_wait3A_191] : memref<2x2048xf32, #tpu.memory_space<vmem>> -> memref<1x2048xf32, #tpu.memory_space<vmem>>
      %dma_wait3A_193 = tpu.memref_squeeze %dma_wait3A_192 : memref<1x2048xf32, #tpu.memory_space<vmem>> -> memref<2048xf32, #tpu.memory_space<vmem>>
      %dma_wait3A_194 = tpu.memref_slice %arg5[%mul3A_186] : memref<6400000xf32, #tpu.memory_space<hbm>> -> memref<2048xf32, #tpu.memory_space<hbm>>
      tpu.wait_dma2 semaphore(%arg19 : memref<!tpu.dma_semaphore, #tpu.memory_space<semaphore_mem>>) src(%dma_wait3A_194 : memref<2048xf32, #tpu.memory_space<hbm>>) dst(%dma_wait3A_193 : memref<2048xf32, #tpu.memory_space<vmem>>)
      %dma_wait3A_195 = arith.constant 0 : i32
      %dma_wait3A_196 = tpu.memref_slice %arg14[%and3A_145, %dma_wait3A_195] : memref<2x2048xf32, #tpu.memory_space<vmem>> -> memref<1x2048xf32, #tpu.memory_space<vmem>>
      %dma_wait3A_197 = tpu.memref_squeeze %dma_wait3A_196 : memref<1x2048xf32, #tpu.memory_space<vmem>> -> memref<2048xf32, #tpu.memory_space<vmem>>
      %dma_wait3A_198 = tpu.memref_slice %arg6[%mul3A_186] : memref<6400000xf32, #tpu.memory_space<hbm>> -> memref<2048xf32, #tpu.memory_space<hbm>>
      %dma_wait3A_199 = arith.constant 0 : i32
      %dma_wait3A_200 = tpu.memref_slice %arg14[%and3A_145, %dma_wait3A_199] : memref<2x2048xf32, #tpu.memory_space<vmem>> -> memref<1x2048xf32, #tpu.memory_space<vmem>>
      %dma_wait3A_201 = tpu.memref_squeeze %dma_wait3A_200 : memref<1x2048xf32, #tpu.memory_space<vmem>> -> memref<2048xf32, #tpu.memory_space<vmem>>
      %dma_wait3A_202 = tpu.memref_slice %arg6[%mul3A_186] : memref<6400000xf32, #tpu.memory_space<hbm>> -> memref<2048xf32, #tpu.memory_space<hbm>>
      tpu.wait_dma2 semaphore(%arg19 : memref<!tpu.dma_semaphore, #tpu.memory_space<semaphore_mem>>) src(%dma_wait3A_202 : memref<2048xf32, #tpu.memory_space<hbm>>) dst(%dma_wait3A_201 : memref<2048xf32, #tpu.memory_space<vmem>>)
      %dma_wait3A_203 = arith.constant 0 : i32
      %dma_wait3A_204 = tpu.memref_slice %arg15[%and3A_145, %dma_wait3A_203] : memref<2x2048xf32, #tpu.memory_space<vmem>> -> memref<1x2048xf32, #tpu.memory_space<vmem>>
      %dma_wait3A_205 = tpu.memref_squeeze %dma_wait3A_204 : memref<1x2048xf32, #tpu.memory_space<vmem>> -> memref<2048xf32, #tpu.memory_space<vmem>>
      %dma_wait3A_206 = tpu.memref_slice %arg7[%mul3A_186] : memref<6400000xf32, #tpu.memory_space<hbm>> -> memref<2048xf32, #tpu.memory_space<hbm>>
      %dma_wait3A_207 = arith.constant 0 : i32
      %dma_wait3A_208 = tpu.memref_slice %arg15[%and3A_145, %dma_wait3A_207] : memref<2x2048xf32, #tpu.memory_space<vmem>> -> memref<1x2048xf32, #tpu.memory_space<vmem>>
      %dma_wait3A_209 = tpu.memref_squeeze %dma_wait3A_208 : memref<1x2048xf32, #tpu.memory_space<vmem>> -> memref<2048xf32, #tpu.memory_space<vmem>>
      %dma_wait3A_210 = tpu.memref_slice %arg7[%mul3A_186] : memref<6400000xf32, #tpu.memory_space<hbm>> -> memref<2048xf32, #tpu.memory_space<hbm>>
      tpu.wait_dma2 semaphore(%arg19 : memref<!tpu.dma_semaphore, #tpu.memory_space<semaphore_mem>>) src(%dma_wait3A_210 : memref<2048xf32, #tpu.memory_space<hbm>>) dst(%dma_wait3A_209 : memref<2048xf32, #tpu.memory_space<vmem>>)
      %convert_element_type3A_211 = arith.extui %lt3A : i1 to i32
      %cond3A_212 = arith.constant 0 : i32
      %cond3A_213 = arith.cmpi ne, %convert_element_type3A_211, %cond3A_212 : i32
      scf.if %cond3A_213 {
        %add3A_246 = arith.constant 1 : i32
        %add3A_247 = arith.addi %while3A_142, %add3A_246 : i32
        %mul3A_248 = arith.constant 32 : i32
        %mul3A_249 = arith.muli %add3A_247, %mul3A_248 : i32
        %add3A_250 = arith.addi %add3A, %mul3A_249 : i32
        %mul3A_251 = arith.constant 2048 : i32
        %mul3A_252 = arith.muli %add3A_250, %mul3A_251 : i32
        %dma_start3A_253 = arith.constant 0 : i32
        %dma_start3A_254 = tpu.memref_slice %arg13[%sub3A_147, %dma_start3A_253] : memref<2x2048xf32, #tpu.memory_space<vmem>> -> memref<1x2048xf32, #tpu.memory_space<vmem>>
        %dma_start3A_255 = tpu.memref_squeeze %dma_start3A_254 : memref<1x2048xf32, #tpu.memory_space<vmem>> -> memref<2048xf32, #tpu.memory_space<vmem>>
        %dma_start3A_256 = tpu.memref_slice %arg5[%mul3A_252] : memref<6400000xf32, #tpu.memory_space<hbm>> -> memref<2048xf32, #tpu.memory_space<hbm>>
        %dma_start3A_257 = arith.constant 0 : i32
        %dma_start3A_258 = tpu.memref_slice %arg13[%sub3A_147, %dma_start3A_257] : memref<2x2048xf32, #tpu.memory_space<vmem>> -> memref<1x2048xf32, #tpu.memory_space<vmem>>
        %dma_start3A_259 = tpu.memref_squeeze %dma_start3A_258 : memref<1x2048xf32, #tpu.memory_space<vmem>> -> memref<2048xf32, #tpu.memory_space<vmem>>
        %dma_start3A_260 = tpu.memref_slice %arg5[%mul3A_252] : memref<6400000xf32, #tpu.memory_space<hbm>> -> memref<2048xf32, #tpu.memory_space<hbm>>
        tpu.enqueue_dma source(%dma_start3A_260 : memref<2048xf32, #tpu.memory_space<hbm>>) target(%dma_start3A_259 : memref<2048xf32, #tpu.memory_space<vmem>>) target_semaphore(%arg19 : memref<!tpu.dma_semaphore, #tpu.memory_space<semaphore_mem>>)
        %dma_start3A_261 = arith.constant 0 : i32
        %dma_start3A_262 = tpu.memref_slice %arg14[%sub3A_147, %dma_start3A_261] : memref<2x2048xf32, #tpu.memory_space<vmem>> -> memref<1x2048xf32, #tpu.memory_space<vmem>>
        %dma_start3A_263 = tpu.memref_squeeze %dma_start3A_262 : memref<1x2048xf32, #tpu.memory_space<vmem>> -> memref<2048xf32, #tpu.memory_space<vmem>>
        %dma_start3A_264 = tpu.memref_slice %arg6[%mul3A_252] : memref<6400000xf32, #tpu.memory_space<hbm>> -> memref<2048xf32, #tpu.memory_space<hbm>>
        %dma_start3A_265 = arith.constant 0 : i32
        %dma_start3A_266 = tpu.memref_slice %arg14[%sub3A_147, %dma_start3A_265] : memref<2x2048xf32, #tpu.memory_space<vmem>> -> memref<1x2048xf32, #tpu.memory_space<vmem>>
        %dma_start3A_267 = tpu.memref_squeeze %dma_start3A_266 : memref<1x2048xf32, #tpu.memory_space<vmem>> -> memref<2048xf32, #tpu.memory_space<vmem>>
        %dma_start3A_268 = tpu.memref_slice %arg6[%mul3A_252] : memref<6400000xf32, #tpu.memory_space<hbm>> -> memref<2048xf32, #tpu.memory_space<hbm>>
        tpu.enqueue_dma source(%dma_start3A_268 : memref<2048xf32, #tpu.memory_space<hbm>>) target(%dma_start3A_267 : memref<2048xf32, #tpu.memory_space<vmem>>) target_semaphore(%arg19 : memref<!tpu.dma_semaphore, #tpu.memory_space<semaphore_mem>>)
        %dma_start3A_269 = arith.constant 0 : i32
        %dma_start3A_270 = tpu.memref_slice %arg15[%sub3A_147, %dma_start3A_269] : memref<2x2048xf32, #tpu.memory_space<vmem>> -> memref<1x2048xf32, #tpu.memory_space<vmem>>
        %dma_start3A_271 = tpu.memref_squeeze %dma_start3A_270 : memref<1x2048xf32, #tpu.memory_space<vmem>> -> memref<2048xf32, #tpu.memory_space<vmem>>
        %dma_start3A_272 = tpu.memref_slice %arg7[%mul3A_252] : memref<6400000xf32, #tpu.memory_space<hbm>> -> memref<2048xf32, #tpu.memory_space<hbm>>
        %dma_start3A_273 = arith.constant 0 : i32
        %dma_start3A_274 = tpu.memref_slice %arg15[%sub3A_147, %dma_start3A_273] : memref<2x2048xf32, #tpu.memory_space<vmem>> -> memref<1x2048xf32, #tpu.memory_space<vmem>>
        %dma_start3A_275 = tpu.memref_squeeze %dma_start3A_274 : memref<1x2048xf32, #tpu.memory_space<vmem>> -> memref<2048xf32, #tpu.memory_space<vmem>>
        %dma_start3A_276 = tpu.memref_slice %arg7[%mul3A_252] : memref<6400000xf32, #tpu.memory_space<hbm>> -> memref<2048xf32, #tpu.memory_space<hbm>>
        tpu.enqueue_dma source(%dma_start3A_276 : memref<2048xf32, #tpu.memory_space<hbm>>) target(%dma_start3A_275 : memref<2048xf32, #tpu.memory_space<vmem>>) target_semaphore(%arg19 : memref<!tpu.dma_semaphore, #tpu.memory_space<semaphore_mem>>)
      } else {
      }
      %ge3A = arith.constant 1 : i32
      %ge3A_214 = arith.cmpi sge, %while3A_142, %ge3A : i32
      %convert_element_type3A_215 = arith.extui %ge3A_214 : i1 to i32
      %cond3A_216 = arith.constant 0 : i32
      %cond3A_217 = arith.cmpi ne, %convert_element_type3A_215, %cond3A_216 : i32
      scf.if %cond3A_217 {
        %sub3A_246 = arith.constant 1 : i32
        %sub3A_247 = arith.subi %while3A_142, %sub3A_246 : i32
        %mul3A_248 = arith.constant 32 : i32
        %mul3A_249 = arith.muli %sub3A_247, %mul3A_248 : i32
        %add3A_250 = arith.addi %add3A, %mul3A_249 : i32
        %mul3A_251 = arith.constant 16 : i32
        %mul3A_252 = arith.muli %add3A_250, %mul3A_251 : i32
        %dma_wait3A_253 = arith.constant 0 : i32
        %dma_wait3A_254 = arith.constant 0 : i32
        %dma_wait3A_255 = arith.constant 0 : i32
        %dma_wait3A_256 = tpu.memref_slice %arg16[%sub3A_147, %dma_wait3A_253, %dma_wait3A_254, %dma_wait3A_255] : memref<2x16x8x128xf32, #tpu.memory_space<vmem>> -> memref<1x16x8x128xf32, #tpu.memory_space<vmem>>
        %dma_wait3A_257 = tpu.memref_squeeze %dma_wait3A_256 : memref<1x16x8x128xf32, #tpu.memory_space<vmem>> -> memref<16x8x128xf32, #tpu.memory_space<vmem>>
        %dma_wait3A_258 = arith.constant 0 : i32
        %dma_wait3A_259 = arith.constant 0 : i32
        %dma_wait3A_260 = tpu.memref_slice %arg8[%mul3A_252, %dma_wait3A_258, %dma_wait3A_259] : memref<50000x8x128xf32, #tpu.memory_space<hbm>> -> memref<16x8x128xf32, #tpu.memory_space<hbm>>
        %dma_wait3A_261 = arith.constant 0 : i32
        %dma_wait3A_262 = arith.constant 0 : i32
        %dma_wait3A_263 = tpu.memref_slice %arg8[%mul3A_252, %dma_wait3A_261, %dma_wait3A_262] : memref<50000x8x128xf32, #tpu.memory_space<hbm>> -> memref<16x8x128xf32, #tpu.memory_space<hbm>>
        %dma_wait3A_264 = arith.constant 0 : i32
        %dma_wait3A_265 = arith.constant 0 : i32
        %dma_wait3A_266 = arith.constant 0 : i32
        %dma_wait3A_267 = tpu.memref_slice %arg16[%sub3A_147, %dma_wait3A_264, %dma_wait3A_265, %dma_wait3A_266] : memref<2x16x8x128xf32, #tpu.memory_space<vmem>> -> memref<1x16x8x128xf32, #tpu.memory_space<vmem>>
        %dma_wait3A_268 = tpu.memref_squeeze %dma_wait3A_267 : memref<1x16x8x128xf32, #tpu.memory_space<vmem>> -> memref<16x8x128xf32, #tpu.memory_space<vmem>>
        tpu.wait_dma2 semaphore(%arg20 : memref<!tpu.dma_semaphore, #tpu.memory_space<semaphore_mem>>) src(%dma_wait3A_268 : memref<16x8x128xf32, #tpu.memory_space<vmem>>) dst(%dma_wait3A_263 : memref<16x8x128xf32, #tpu.memory_space<hbm>>)
      } else {
      }
      %scan3A = arith.constant 0 : i32
      %scan3A_218 = arith.constant 0 : i32
      %scan3A_219 = arith.constant 128 : i32
      %scan3A_220 = arith.addi %scan3A_218, %scan3A_219 : i32
      %scan3A_221 = arith.constant 1 : i32
      %scan3A_222 = scf.for %scan3A_246 = %scan3A_218 to %scan3A_220 step %scan3A_221 iter_args(%scan3A_247 = %scan3A) -> (i32)  : i32 {
        %mul3A_248 = arith.constant 16 : i32
        %mul3A_249 = arith.muli %scan3A_246, %mul3A_248 : i32
        %add3A_250 = vector.broadcast %mul3A_249 : i32 to vector<16xi32>
        %add3A_251 = arith.addi %add3A_250, %iota3A : vector<16xi32>
        %shift_right_logical3A_252 = arith.constant 3 : i32
        %shift_right_logical3A_253 = arith.shrui %scan3A_246, %shift_right_logical3A_252 : i32
        %and3A_254 = arith.constant 7 : i32
        %and3A_255 = arith.andi %scan3A_246, %and3A_254 : i32
        %mul3A_256 = arith.constant 16 : i32
        %mul3A_257 = arith.muli %and3A_255, %mul3A_256 : i32
        %gather3A = arith.constant 0 : i32
        %gather3A_258 = arith.constant 0 : i32
        %gather3A_259 = tpu.memref_slice %arg12[%and3A_145, %gather3A, %gather3A_258] : memref<2x2048x8xf32, #tpu.memory_space<vmem>> -> memref<1x2048x8xf32, #tpu.memory_space<vmem>>
        %gather3A_260 = tpu.memref_squeeze %gather3A_259 : memref<1x2048x8xf32, #tpu.memory_space<vmem>> -> memref<2048x8xf32, #tpu.memory_space<vmem>>
        %gather3A_261 = tpu.vector_load_idx %gather3A_260[%add3A_251, %broadcast_in_dim3A_1] : memref<2048x8xf32, #tpu.memory_space<vmem>>[vector<16xi32>, vector<16xi32>], vector<16xf32>,
        %add3A_262 = arith.constant 1 : i32
        %add3A_263 = vector.broadcast %add3A_262 : i32 to vector<16xi32>
        %add3A_264 = arith.addi %broadcast_in_dim3A_1, %add3A_263 : vector<16xi32>
        %gather3A_265 = arith.constant 0 : i32
        %gather3A_266 = arith.constant 0 : i32
        %gather3A_267 = tpu.memref_slice %arg12[%and3A_145, %gather3A_265, %gather3A_266] : memref<2x2048x8xf32, #tpu.memory_space<vmem>> -> memref<1x2048x8xf32, #tpu.memory_space<vmem>>
        %gather3A_268 = tpu.memref_squeeze %gather3A_267 : memref<1x2048x8xf32, #tpu.memory_space<vmem>> -> memref<2048x8xf32, #tpu.memory_space<vmem>>
        %gather3A_269 = tpu.vector_load_idx %gather3A_268[%add3A_251, %add3A_264] : memref<2048x8xf32, #tpu.memory_space<vmem>>[vector<16xi32>, vector<16xi32>], vector<16xf32>,
        %add3A_270 = arith.constant 2 : i32
        %add3A_271 = vector.broadcast %add3A_270 : i32 to vector<16xi32>
        %add3A_272 = arith.addi %broadcast_in_dim3A_1, %add3A_271 : vector<16xi32>
        %gather3A_273 = arith.constant 0 : i32
        %gather3A_274 = arith.constant 0 : i32
        %gather3A_275 = tpu.memref_slice %arg12[%and3A_145, %gather3A_273, %gather3A_274] : memref<2x2048x8xf32, #tpu.memory_space<vmem>> -> memref<1x2048x8xf32, #tpu.memory_space<vmem>>
        %gather3A_276 = tpu.memref_squeeze %gather3A_275 : memref<1x2048x8xf32, #tpu.memory_space<vmem>> -> memref<2048x8xf32, #tpu.memory_space<vmem>>
        %gather3A_277 = tpu.vector_load_idx %gather3A_276[%add3A_251, %add3A_272] : memref<2048x8xf32, #tpu.memory_space<vmem>>[vector<16xi32>, vector<16xi32>], vector<16xf32>,
        %gather3A_278 = arith.constant 0 : i32
        %gather3A_279 = arith.constant 0 : i32
        %gather3A_280 = tpu.memref_slice %arg11[%and3A_145, %gather3A_278, %gather3A_279] : memref<2x2048x8xf32, #tpu.memory_space<vmem>> -> memref<1x2048x8xf32, #tpu.memory_space<vmem>>
        %gather3A_281 = tpu.memref_squeeze %gather3A_280 : memref<1x2048x8xf32, #tpu.memory_space<vmem>> -> memref<2048x8xf32, #tpu.memory_space<vmem>>
        %gather3A_282 = tpu.vector_load_idx %gather3A_281[%add3A_251, %broadcast_in_dim3A_1] : memref<2048x8xf32, #tpu.memory_space<vmem>>[vector<16xi32>, vector<16xi32>], vector<16xf32>,
        %add3A_283 = arith.constant 1 : i32
        %add3A_284 = vector.broadcast %add3A_283 : i32 to vector<16xi32>
        %add3A_285 = arith.addi %broadcast_in_dim3A_1, %add3A_284 : vector<16xi32>
        %gather3A_286 = arith.constant 0 : i32
        %gather3A_287 = arith.constant 0 : i32
        %gather3A_288 = tpu.memref_slice %arg11[%and3A_145, %gather3A_286, %gather3A_287] : memref<2x2048x8xf32, #tpu.memory_space<vmem>> -> memref<1x2048x8xf32, #tpu.memory_space<vmem>>
        %gather3A_289 = tpu.memref_squeeze %gather3A_288 : memref<1x2048x8xf32, #tpu.memory_space<vmem>> -> memref<2048x8xf32, #tpu.memory_space<vmem>>
        %gather3A_290 = tpu.vector_load_idx %gather3A_289[%add3A_251, %add3A_285] : memref<2048x8xf32, #tpu.memory_space<vmem>>[vector<16xi32>, vector<16xi32>], vector<16xf32>,
        %add3A_291 = arith.constant 2 : i32
        %add3A_292 = vector.broadcast %add3A_291 : i32 to vector<16xi32>
        %add3A_293 = arith.addi %broadcast_in_dim3A_1, %add3A_292 : vector<16xi32>
        %gather3A_294 = arith.constant 0 : i32
        %gather3A_295 = arith.constant 0 : i32
        %gather3A_296 = tpu.memref_slice %arg11[%and3A_145, %gather3A_294, %gather3A_295] : memref<2x2048x8xf32, #tpu.memory_space<vmem>> -> memref<1x2048x8xf32, #tpu.memory_space<vmem>>
        %gather3A_297 = tpu.memref_squeeze %gather3A_296 : memref<1x2048x8xf32, #tpu.memory_space<vmem>> -> memref<2048x8xf32, #tpu.memory_space<vmem>>
        %gather3A_298 = tpu.vector_load_idx %gather3A_297[%add3A_251, %add3A_293] : memref<2048x8xf32, #tpu.memory_space<vmem>>[vector<16xi32>, vector<16xi32>], vector<16xf32>,
        %get3A = arith.index_cast %and3A_145 : i32 to index
        %get3A_299 = arith.index_cast %mul3A_249 : i32 to index
        %get3A_300 = tpu.vector_load %arg13[%get3A, %get3A_299] {strides = array<i32>} : memref<2x2048xf32, #tpu.memory_space<vmem>>, vector<16xf32>,
        %get3A_301 = arith.index_cast %and3A_145 : i32 to index
        %get3A_302 = arith.index_cast %mul3A_249 : i32 to index
        %get3A_303 = tpu.vector_load %arg14[%get3A_301, %get3A_302] {strides = array<i32>} : memref<2x2048xf32, #tpu.memory_space<vmem>>, vector<16xf32>,
        %get3A_304 = arith.index_cast %and3A_145 : i32 to index
        %get3A_305 = arith.index_cast %mul3A_249 : i32 to index
        %get3A_306 = tpu.vector_load %arg15[%get3A_304, %get3A_305] {strides = array<i32>} : memref<2x2048xf32, #tpu.memory_space<vmem>>, vector<16xf32>,
        %add3A_307 = arith.addf %gather3A_261, %get3A_300 : vector<16xf32>
        %sub3A_308 = arith.subf %add3A_307, %gather3A_282 : vector<16xf32>
        %add3A_309 = arith.addf %gather3A_269, %get3A_303 : vector<16xf32>
        %sub3A_310 = arith.subf %add3A_309, %gather3A_290 : vector<16xf32>
        %add3A_311 = arith.addf %gather3A_277, %get3A_306 : vector<16xf32>
        %sub3A_312 = arith.subf %add3A_311, %gather3A_298 : vector<16xf32>
        %mul3A_313 = arith.mulf %sub3A_308, %sub3A_308 : vector<16xf32>
        %mul3A_314 = arith.mulf %sub3A_310, %sub3A_310 : vector<16xf32>
        %add3A_315 = arith.addf %mul3A_313, %mul3A_314 : vector<16xf32>
        %mul3A_316 = arith.mulf %sub3A_312, %sub3A_312 : vector<16xf32>
        %add3A_317 = arith.addf %add3A_315, %mul3A_316 : vector<16xf32>
        %bitcast3A = vector.bitcast %add3A_317 : vector<16xf32> to vector<16xi32>
        %shift_right_logical3A_318 = arith.constant 1 : i32
        %shift_right_logical3A_319 = vector.broadcast %shift_right_logical3A_318 : i32 to vector<16xi32>
        %shift_right_logical3A_320 = arith.shrui %bitcast3A, %shift_right_logical3A_319 : vector<16xi32>
        %sub3A_321 = arith.constant 1597463007 : i32
        %sub3A_322 = vector.broadcast %sub3A_321 : i32 to vector<16xi32>
        %sub3A_323 = arith.subi %sub3A_322, %shift_right_logical3A_320 : vector<16xi32>
        %bitcast3A_324 = vector.bitcast %sub3A_323 : vector<16xi32> to vector<16xf32>
        %mul3A_325 = arith.constant 5.000000e-01 : f32
        %mul3A_326 = vector.broadcast %mul3A_325 : f32 to vector<16xf32>
        %mul3A_327 = arith.mulf %mul3A_326, %add3A_317 : vector<16xf32>
        %mul3A_328 = arith.mulf %mul3A_327, %bitcast3A_324 : vector<16xf32>
        %mul3A_329 = arith.mulf %mul3A_328, %bitcast3A_324 : vector<16xf32>
        %sub3A_330 = arith.constant 1.500000e+00 : f32
        %sub3A_331 = vector.broadcast %sub3A_330 : f32 to vector<16xf32>
        %sub3A_332 = arith.subf %sub3A_331, %mul3A_329 : vector<16xf32>
        %mul3A_333 = arith.mulf %bitcast3A_324, %sub3A_332 : vector<16xf32>
        %mul3A_334 = arith.constant 5.000000e-01 : f32
        %mul3A_335 = vector.broadcast %mul3A_334 : f32 to vector<16xf32>
        %mul3A_336 = arith.mulf %mul3A_335, %add3A_317 : vector<16xf32>
        %mul3A_337 = arith.mulf %mul3A_336, %mul3A_333 : vector<16xf32>
        %mul3A_338 = arith.mulf %mul3A_337, %mul3A_333 : vector<16xf32>
        %sub3A_339 = arith.constant 1.500000e+00 : f32
        %sub3A_340 = vector.broadcast %sub3A_339 : f32 to vector<16xf32>
        %sub3A_341 = arith.subf %sub3A_340, %mul3A_338 : vector<16xf32>
        %mul3A_342 = arith.mulf %mul3A_333, %sub3A_341 : vector<16xf32>
        %mul3A_343 = arith.mulf %add3A_317, %mul3A_342 : vector<16xf32>
        %lt3A_344 = arith.constant 3.600000e+01 : f32
        %lt3A_345 = vector.broadcast %lt3A_344 : f32 to vector<16xf32>
        %lt3A_346 = arith.cmpf olt, %add3A_317, %lt3A_345 : vector<16xf32>
        %mul3A_347 = arith.constant 0.166666672 : f32
        %mul3A_348 = vector.broadcast %mul3A_347 : f32 to vector<16xf32>
        %mul3A_349 = arith.mulf %mul3A_343, %mul3A_348 : vector<16xf32>
        %min3A = arith.constant 1.000000e+00 : f32
        %min3A_350 = vector.broadcast %min3A : f32 to vector<16xf32>
        %min3A_351 = arith.minimumf %mul3A_349, %min3A_350 : vector<16xf32>
        %mul3A_352 = arith.constant 1.57079637 : f32
        %mul3A_353 = vector.broadcast %mul3A_352 : f32 to vector<16xf32>
        %mul3A_354 = arith.mulf %min3A_351, %mul3A_353 : vector<16xf32>
        %mul3A_355 = arith.mulf %mul3A_354, %mul3A_354 : vector<16xf32>
        %mul3A_356 = arith.constant 2.75573188E-6 : f32
        %mul3A_357 = vector.broadcast %mul3A_356 : f32 to vector<16xf32>
        %mul3A_358 = arith.mulf %mul3A_355, %mul3A_357 : vector<16xf32>
        %add3A_359 = arith.constant -1.98412701E-4 : f32
        %add3A_360 = vector.broadcast %add3A_359 : f32 to vector<16xf32>
        %add3A_361 = arith.addf %add3A_360, %mul3A_358 : vector<16xf32>
        %mul3A_362 = arith.mulf %mul3A_355, %add3A_361 : vector<16xf32>
        %add3A_363 = arith.constant 0.00833333377 : f32
        %add3A_364 = vector.broadcast %add3A_363 : f32 to vector<16xf32>
        %add3A_365 = arith.addf %add3A_364, %mul3A_362 : vector<16xf32>
        %mul3A_366 = arith.mulf %mul3A_355, %add3A_365 : vector<16xf32>
        %add3A_367 = arith.constant -0.166666672 : f32
        %add3A_368 = vector.broadcast %add3A_367 : f32 to vector<16xf32>
        %add3A_369 = arith.addf %add3A_368, %mul3A_366 : vector<16xf32>
        %mul3A_370 = arith.mulf %mul3A_355, %add3A_369 : vector<16xf32>
        %add3A_371 = arith.constant 1.000000e+00 : f32
        %add3A_372 = vector.broadcast %add3A_371 : f32 to vector<16xf32>
        %add3A_373 = arith.addf %add3A_372, %mul3A_370 : vector<16xf32>
        %mul3A_374 = arith.mulf %mul3A_354, %add3A_373 : vector<16xf32>
        %mul3A_375 = arith.constant -2.755732E-7 : f32
        %mul3A_376 = vector.broadcast %mul3A_375 : f32 to vector<16xf32>
        %mul3A_377 = arith.mulf %mul3A_355, %mul3A_376 : vector<16xf32>
        %add3A_378 = arith.constant 2.48015876E-5 : f32
        %add3A_379 = vector.broadcast %add3A_378 : f32 to vector<16xf32>
        %add3A_380 = arith.addf %add3A_379, %mul3A_377 : vector<16xf32>
        %mul3A_381 = arith.mulf %mul3A_355, %add3A_380 : vector<16xf32>
        %add3A_382 = arith.constant -0.00138888892 : f32
        %add3A_383 = vector.broadcast %add3A_382 : f32 to vector<16xf32>
        %add3A_384 = arith.addf %add3A_383, %mul3A_381 : vector<16xf32>
        %mul3A_385 = arith.mulf %mul3A_355, %add3A_384 : vector<16xf32>
        %add3A_386 = arith.constant 0.0416666679 : f32
        %add3A_387 = vector.broadcast %add3A_386 : f32 to vector<16xf32>
        %add3A_388 = arith.addf %add3A_387, %mul3A_385 : vector<16xf32>
        %mul3A_389 = arith.mulf %mul3A_355, %add3A_388 : vector<16xf32>
        %add3A_390 = arith.constant -5.000000e-01 : f32
        %add3A_391 = vector.broadcast %add3A_390 : f32 to vector<16xf32>
        %add3A_392 = arith.addf %add3A_391, %mul3A_389 : vector<16xf32>
        %mul3A_393 = arith.mulf %mul3A_355, %add3A_392 : vector<16xf32>
        %add3A_394 = arith.constant 1.000000e+00 : f32
        %add3A_395 = vector.broadcast %add3A_394 : f32 to vector<16xf32>
        %add3A_396 = arith.addf %add3A_395, %mul3A_393 : vector<16xf32>
        %mul3A_397 = arith.constant 2.000000e+00 : f32
        %mul3A_398 = vector.broadcast %mul3A_397 : f32 to vector<16xf32>
        %mul3A_399 = arith.mulf %mul3A_398, %mul3A_374 : vector<16xf32>
        %mul3A_400 = arith.mulf %mul3A_399, %add3A_396 : vector<16xf32>
        %mul3A_401 = arith.constant 2.000000e+00 : f32
        %mul3A_402 = vector.broadcast %mul3A_401 : f32 to vector<16xf32>
        %mul3A_403 = arith.mulf %mul3A_402, %mul3A_374 : vector<16xf32>
        %mul3A_404 = arith.mulf %mul3A_403, %mul3A_374 : vector<16xf32>
        %sub3A_405 = arith.constant 1.000000e+00 : f32
        %sub3A_406 = vector.broadcast %sub3A_405 : f32 to vector<16xf32>
        %sub3A_407 = arith.subf %sub3A_406, %mul3A_404 : vector<16xf32>
        %mul3A_408 = arith.constant 2.000000e+00 : f32
        %mul3A_409 = vector.broadcast %mul3A_408 : f32 to vector<16xf32>
        %mul3A_410 = arith.mulf %mul3A_409, %sub3A_407 : vector<16xf32>
        %mul3A_411 = arith.mulf %min3A_351, %min3A_351 : vector<16xf32>
        %mul3A_412 = arith.mulf %mul3A_411, %mul3A_411 : vector<16xf32>
        %mul3A_413 = arith.mulf %mul3A_412, %mul3A_411 : vector<16xf32>
        %mul3A_414 = arith.constant 2.100000e+01 : f32
        %mul3A_415 = vector.broadcast %mul3A_414 : f32 to vector<16xf32>
        %mul3A_416 = arith.mulf %mul3A_415, %min3A_351 : vector<16xf32>
        %sub3A_417 = arith.constant 4.800000e+01 : f32
        %sub3A_418 = vector.broadcast %sub3A_417 : f32 to vector<16xf32>
        %sub3A_419 = arith.subf %sub3A_418, %mul3A_416 : vector<16xf32>
        %mul3A_420 = arith.mulf %min3A_351, %sub3A_419 : vector<16xf32>
        %add3A_421 = arith.constant -2.800000e+01 : f32
        %add3A_422 = vector.broadcast %add3A_421 : f32 to vector<16xf32>
        %add3A_423 = arith.addf %add3A_422, %mul3A_420 : vector<16xf32>
        %mul3A_424 = arith.mulf %mul3A_413, %add3A_423 : vector<16xf32>
        %add3A_425 = arith.constant 1.000000e+00 : f32
        %add3A_426 = vector.broadcast %add3A_425 : f32 to vector<16xf32>
        %add3A_427 = arith.addf %add3A_426, %mul3A_424 : vector<16xf32>
        %mul3A_428 = arith.mulf %add3A_427, %mul3A_342 : vector<16xf32>
        %mul3A_429 = arith.constant 0.333333343 : f32
        %mul3A_430 = vector.broadcast %mul3A_429 : f32 to vector<16xf32>
        %mul3A_431 = arith.mulf %mul3A_428, %mul3A_430 : vector<16xf32>
        %jit3A = arith.constant 0.000000e+00 : f32
        %broadcast_in_dim3A_432 = vector.broadcast %jit3A : f32 to vector<16xf32>
        %select_n3A = arith.select %lt3A_346, %mul3A_431, %broadcast_in_dim3A_432 : vector<16xi1>, vector<16xf32>
        %broadcast_in_dim3A_433 = arith.constant 0.000000e+00 : f32
        %broadcast_in_dim3A_434 = vector.broadcast %broadcast_in_dim3A_433 : f32 to vector<16xf32>
        %mul3A_435 = arith.mulf %mul3A_400, %select_n3A : vector<16xf32>
        %swap3A = arith.constant 0 : i32
        %swap3A_436 = arith.index_cast %and3A_145 : i32 to index
        %swap3A_437 = arith.index_cast %shift_right_logical3A_253 : i32 to index
        %swap3A_438 = arith.index_cast %swap3A : i32 to index
        %swap3A_439 = arith.index_cast %mul3A_257 : i32 to index
        %swap3A_440 = tpu.vector_load %arg16[%swap3A_436, %swap3A_437, %swap3A_438, %swap3A_439] {strides = array<i32>} : memref<2x16x8x128xf32, #tpu.memory_space<vmem>>, vector<16xf32>,
        tpu.vector_store %arg16[%swap3A_436, %swap3A_437, %swap3A_438, %swap3A_439], %mul3A_435 {strides = array<i32>} : memref<2x16x8x128xf32, #tpu.memory_space<vmem>>, vector<16xf32>,
        %mul3A_441 = arith.mulf %mul3A_410, %mul3A_400 : vector<16xf32>
        %sub3A_442 = arith.subf %mul3A_441, %broadcast_in_dim3A_434 : vector<16xf32>
        %mul3A_443 = arith.mulf %sub3A_442, %select_n3A : vector<16xf32>
        %swap3A_444 = arith.constant 1 : i32
        %swap3A_445 = arith.index_cast %and3A_145 : i32 to index
        %swap3A_446 = arith.index_cast %shift_right_logical3A_253 : i32 to index
        %swap3A_447 = arith.index_cast %swap3A_444 : i32 to index
        %swap3A_448 = arith.index_cast %mul3A_257 : i32 to index
        %swap3A_449 = tpu.vector_load %arg16[%swap3A_445, %swap3A_446, %swap3A_447, %swap3A_448] {strides = array<i32>} : memref<2x16x8x128xf32, #tpu.memory_space<vmem>>, vector<16xf32>,
        tpu.vector_store %arg16[%swap3A_445, %swap3A_446, %swap3A_447, %swap3A_448], %mul3A_443 {strides = array<i32>} : memref<2x16x8x128xf32, #tpu.memory_space<vmem>>, vector<16xf32>,
        %mul3A_450 = arith.mulf %mul3A_410, %sub3A_442 : vector<16xf32>
        %sub3A_451 = arith.subf %mul3A_450, %mul3A_400 : vector<16xf32>
        %mul3A_452 = arith.mulf %sub3A_451, %select_n3A : vector<16xf32>
        %swap3A_453 = arith.constant 2 : i32
        %swap3A_454 = arith.index_cast %and3A_145 : i32 to index
        %swap3A_455 = arith.index_cast %shift_right_logical3A_253 : i32 to index
        %swap3A_456 = arith.index_cast %swap3A_453 : i32 to index
        %swap3A_457 = arith.index_cast %mul3A_257 : i32 to index
        %swap3A_458 = tpu.vector_load %arg16[%swap3A_454, %swap3A_455, %swap3A_456, %swap3A_457] {strides = array<i32>} : memref<2x16x8x128xf32, #tpu.memory_space<vmem>>, vector<16xf32>,
        tpu.vector_store %arg16[%swap3A_454, %swap3A_455, %swap3A_456, %swap3A_457], %mul3A_452 {strides = array<i32>} : memref<2x16x8x128xf32, #tpu.memory_space<vmem>>, vector<16xf32>,
        %mul3A_459 = arith.mulf %mul3A_410, %sub3A_451 : vector<16xf32>
        %sub3A_460 = arith.subf %mul3A_459, %sub3A_442 : vector<16xf32>
        %mul3A_461 = arith.mulf %sub3A_460, %select_n3A : vector<16xf32>
        %swap3A_462 = arith.constant 3 : i32
        %swap3A_463 = arith.index_cast %and3A_145 : i32 to index
        %swap3A_464 = arith.index_cast %shift_right_logical3A_253 : i32 to index
        %swap3A_465 = arith.index_cast %swap3A_462 : i32 to index
        %swap3A_466 = arith.index_cast %mul3A_257 : i32 to index
        %swap3A_467 = tpu.vector_load %arg16[%swap3A_463, %swap3A_464, %swap3A_465, %swap3A_466] {strides = array<i32>} : memref<2x16x8x128xf32, #tpu.memory_space<vmem>>, vector<16xf32>,
        tpu.vector_store %arg16[%swap3A_463, %swap3A_464, %swap3A_465, %swap3A_466], %mul3A_461 {strides = array<i32>} : memref<2x16x8x128xf32, #tpu.memory_space<vmem>>, vector<16xf32>,
        %mul3A_468 = arith.mulf %mul3A_410, %sub3A_460 : vector<16xf32>
        %sub3A_469 = arith.subf %mul3A_468, %sub3A_451 : vector<16xf32>
        %mul3A_470 = arith.mulf %sub3A_469, %select_n3A : vector<16xf32>
        %swap3A_471 = arith.constant 4 : i32
        %swap3A_472 = arith.index_cast %and3A_145 : i32 to index
        %swap3A_473 = arith.index_cast %shift_right_logical3A_253 : i32 to index
        %swap3A_474 = arith.index_cast %swap3A_471 : i32 to index
        %swap3A_475 = arith.index_cast %mul3A_257 : i32 to index
        %swap3A_476 = tpu.vector_load %arg16[%swap3A_472, %swap3A_473, %swap3A_474, %swap3A_475] {strides = array<i32>} : memref<2x16x8x128xf32, #tpu.memory_space<vmem>>, vector<16xf32>,
        tpu.vector_store %arg16[%swap3A_472, %swap3A_473, %swap3A_474, %swap3A_475], %mul3A_470 {strides = array<i32>} : memref<2x16x8x128xf32, #tpu.memory_space<vmem>>, vector<16xf32>,
        %mul3A_477 = arith.mulf %mul3A_410, %sub3A_469 : vector<16xf32>
        %sub3A_478 = arith.subf %mul3A_477, %sub3A_460 : vector<16xf32>
        %mul3A_479 = arith.mulf %sub3A_478, %select_n3A : vector<16xf32>
        %swap3A_480 = arith.constant 5 : i32
        %swap3A_481 = arith.index_cast %and3A_145 : i32 to index
        %swap3A_482 = arith.index_cast %shift_right_logical3A_253 : i32 to index
        %swap3A_483 = arith.index_cast %swap3A_480 : i32 to index
        %swap3A_484 = arith.index_cast %mul3A_257 : i32 to index
        %swap3A_485 = tpu.vector_load %arg16[%swap3A_481, %swap3A_482, %swap3A_483, %swap3A_484] {strides = array<i32>} : memref<2x16x8x128xf32, #tpu.memory_space<vmem>>, vector<16xf32>,
        tpu.vector_store %arg16[%swap3A_481, %swap3A_482, %swap3A_483, %swap3A_484], %mul3A_479 {strides = array<i32>} : memref<2x16x8x128xf32, #tpu.memory_space<vmem>>, vector<16xf32>,
        %mul3A_486 = arith.mulf %mul3A_410, %sub3A_478 : vector<16xf32>
        %sub3A_487 = arith.subf %mul3A_486, %sub3A_469 : vector<16xf32>
        %mul3A_488 = arith.mulf %sub3A_487, %select_n3A : vector<16xf32>
        %swap3A_489 = arith.constant 6 : i32
        %swap3A_490 = arith.index_cast %and3A_145 : i32 to index
        %swap3A_491 = arith.index_cast %shift_right_logical3A_253 : i32 to index
        %swap3A_492 = arith.index_cast %swap3A_489 : i32 to index
        %swap3A_493 = arith.index_cast %mul3A_257 : i32 to index
        %swap3A_494 = tpu.vector_load %arg16[%swap3A_490, %swap3A_491, %swap3A_492, %swap3A_493] {strides = array<i32>} : memref<2x16x8x128xf32, #tpu.memory_space<vmem>>, vector<16xf32>,
        tpu.vector_store %arg16[%swap3A_490, %swap3A_491, %swap3A_492, %swap3A_493], %mul3A_488 {strides = array<i32>} : memref<2x16x8x128xf32, #tpu.memory_space<vmem>>, vector<16xf32>,
        %mul3A_495 = arith.mulf %mul3A_410, %sub3A_487 : vector<16xf32>
        %sub3A_496 = arith.subf %mul3A_495, %sub3A_478 : vector<16xf32>
        %mul3A_497 = arith.mulf %sub3A_496, %select_n3A : vector<16xf32>
        %swap3A_498 = arith.constant 7 : i32
        %swap3A_499 = arith.index_cast %and3A_145 : i32 to index
        %swap3A_500 = arith.index_cast %shift_right_logical3A_253 : i32 to index
        %swap3A_501 = arith.index_cast %swap3A_498 : i32 to index
        %swap3A_502 = arith.index_cast %mul3A_257 : i32 to index
        %swap3A_503 = tpu.vector_load %arg16[%swap3A_499, %swap3A_500, %swap3A_501, %swap3A_502] {strides = array<i32>} : memref<2x16x8x128xf32, #tpu.memory_space<vmem>>, vector<16xf32>,
        tpu.vector_store %arg16[%swap3A_499, %swap3A_500, %swap3A_501, %swap3A_502], %mul3A_497 {strides = array<i32>} : memref<2x16x8x128xf32, #tpu.memory_space<vmem>>, vector<16xf32>,
        %mul3A_504 = arith.mulf %mul3A_410, %sub3A_496 : vector<16xf32>
        %sub3A_505 = arith.subf %mul3A_504, %sub3A_487 : vector<16xf32>
        %scan3A_506 = arith.constant 0 : i32
        scf.yield %scan3A_506 : i32
      }
      %scan3A_223 = arith.constant 128 : i32
      %mul3A_224 = arith.constant 32 : i32
      %mul3A_225 = arith.muli %while3A_142, %mul3A_224 : i32
      %add3A_226 = arith.addi %add3A, %mul3A_225 : i32
      %mul3A_227 = arith.constant 16 : i32
      %mul3A_228 = arith.muli %add3A_226, %mul3A_227 : i32
      %dma_start3A_229 = arith.constant 0 : i32
      %dma_start3A_230 = arith.constant 0 : i32
      %dma_start3A_231 = arith.constant 0 : i32
      %dma_start3A_232 = tpu.memref_slice %arg16[%and3A_145, %dma_start3A_229, %dma_start3A_230, %dma_start3A_231] : memref<2x16x8x128xf32, #tpu.memory_space<vmem>> -> memref<1x16x8x128xf32, #tpu.memory_space<vmem>>
      %dma_start3A_233 = tpu.memref_squeeze %dma_start3A_232 : memref<1x16x8x128xf32, #tpu.memory_space<vmem>> -> memref<16x8x128xf32, #tpu.memory_space<vmem>>
      %dma_start3A_234 = arith.constant 0 : i32
      %dma_start3A_235 = arith.constant 0 : i32
      %dma_start3A_236 = tpu.memref_slice %arg8[%mul3A_228, %dma_start3A_234, %dma_start3A_235] : memref<50000x8x128xf32, #tpu.memory_space<hbm>> -> memref<16x8x128xf32, #tpu.memory_space<hbm>>
      %dma_start3A_237 = arith.constant 0 : i32
      %dma_start3A_238 = arith.constant 0 : i32
      %dma_start3A_239 = tpu.memref_slice %arg8[%mul3A_228, %dma_start3A_237, %dma_start3A_238] : memref<50000x8x128xf32, #tpu.memory_space<hbm>> -> memref<16x8x128xf32, #tpu.memory_space<hbm>>
      %dma_start3A_240 = arith.constant 0 : i32
      %dma_start3A_241 = arith.constant 0 : i32
      %dma_start3A_242 = arith.constant 0 : i32
      %dma_start3A_243 = tpu.memref_slice %arg16[%and3A_145, %dma_start3A_240, %dma_start3A_241, %dma_start3A_242] : memref<2x16x8x128xf32, #tpu.memory_space<vmem>> -> memref<1x16x8x128xf32, #tpu.memory_space<vmem>>
      %dma_start3A_244 = tpu.memref_squeeze %dma_start3A_243 : memref<1x16x8x128xf32, #tpu.memory_space<vmem>> -> memref<16x8x128xf32, #tpu.memory_space<vmem>>
      tpu.enqueue_dma source(%dma_start3A_244 : memref<16x8x128xf32, #tpu.memory_space<vmem>>) target(%dma_start3A_239 : memref<16x8x128xf32, #tpu.memory_space<hbm>>) target_semaphore(%arg20 : memref<!tpu.dma_semaphore, #tpu.memory_space<semaphore_mem>>)
      %while3A_245 = arith.constant 0 : i32
      scf.yield %while3A_245 : i32
    }
    %sub3A_116 = arith.constant 1 : i32
    %sub3A_117 = arith.subi %add3A_5, %sub3A_116 : i32
    %sub3A_118 = arith.constant 1 : i32
    %sub3A_119 = arith.subi %add3A_5, %sub3A_118 : i32
    %and3A = arith.constant 1 : i32
    %and3A_120 = arith.andi %sub3A_119, %and3A : i32
    %mul3A_121 = arith.constant 32 : i32
    %mul3A_122 = arith.muli %sub3A_117, %mul3A_121 : i32
    %add3A_123 = arith.addi %add3A, %mul3A_122 : i32
    %mul3A_124 = arith.constant 16 : i32
    %mul3A_125 = arith.muli %add3A_123, %mul3A_124 : i32
    %dma_wait3A_126 = arith.constant 0 : i32
    %dma_wait3A_127 = arith.constant 0 : i32
    %dma_wait3A_128 = arith.constant 0 : i32
    %dma_wait3A_129 = tpu.memref_slice %arg16[%and3A_120, %dma_wait3A_126, %dma_wait3A_127, %dma_wait3A_128] : memref<2x16x8x128xf32, #tpu.memory_space<vmem>> -> memref<1x16x8x128xf32, #tpu.memory_space<vmem>>
    %dma_wait3A_130 = tpu.memref_squeeze %dma_wait3A_129 : memref<1x16x8x128xf32, #tpu.memory_space<vmem>> -> memref<16x8x128xf32, #tpu.memory_space<vmem>>
    %dma_wait3A_131 = arith.constant 0 : i32
    %dma_wait3A_132 = arith.constant 0 : i32
    %dma_wait3A_133 = tpu.memref_slice %arg8[%mul3A_125, %dma_wait3A_131, %dma_wait3A_132] : memref<50000x8x128xf32, #tpu.memory_space<hbm>> -> memref<16x8x128xf32, #tpu.memory_space<hbm>>
    %dma_wait3A_134 = arith.constant 0 : i32
    %dma_wait3A_135 = arith.constant 0 : i32
    %dma_wait3A_136 = tpu.memref_slice %arg8[%mul3A_125, %dma_wait3A_134, %dma_wait3A_135] : memref<50000x8x128xf32, #tpu.memory_space<hbm>> -> memref<16x8x128xf32, #tpu.memory_space<hbm>>
    %dma_wait3A_137 = arith.constant 0 : i32
    %dma_wait3A_138 = arith.constant 0 : i32
    %dma_wait3A_139 = arith.constant 0 : i32
    %dma_wait3A_140 = tpu.memref_slice %arg16[%and3A_120, %dma_wait3A_137, %dma_wait3A_138, %dma_wait3A_139] : memref<2x16x8x128xf32, #tpu.memory_space<vmem>> -> memref<1x16x8x128xf32, #tpu.memory_space<vmem>>
    %dma_wait3A_141 = tpu.memref_squeeze %dma_wait3A_140 : memref<1x16x8x128xf32, #tpu.memory_space<vmem>> -> memref<16x8x128xf32, #tpu.memory_space<vmem>>
    tpu.wait_dma2 semaphore(%arg20 : memref<!tpu.dma_semaphore, #tpu.memory_space<semaphore_mem>>) src(%dma_wait3A_141 : memref<16x8x128xf32, #tpu.memory_space<vmem>>) dst(%dma_wait3A_136 : memref<16x8x128xf32, #tpu.memory_space<hbm>>)
    return
  }
}

#map = affine_map<(d0, d1) -> (0, 0)>
#map1 = affine_map<(d0, d1) -> (0)>
module attributes {stable_mosaic.version = 14 : i64} {
  func.func @reformat_kernel(%arg0: i32, %arg1: i32, %arg2: memref<2x6400000xi32, #tpu.memory_space<hbm>>, %arg3: memref<6400000xi32, #tpu.memory_space<hbm>>, %arg4: memref<6400000xi32, #tpu.memory_space<hbm>>, %arg5: memref<6400xi32, #tpu.memory_space<vmem>>, %arg6: memref<6400xi32, #tpu.memory_space<vmem>>) attributes {dimension_semantics = [#tpu.dimension_semantics<core_parallel>, #tpu.dimension_semantics<subcore_parallel>], iteration_bounds = array<i64: 2, 16>, scalar_prefetch = 0 : i64, scratch_operands = 2 : i64, tpu.core_type = #tpu.core_type<sc_vector_subcore>, window_params = [{transform_indices = #map}, {transform_indices = #map1}, {transform_indices = #map1}]} {
    %mul3A = arith.constant 2 : i32
    %mul3A_0 = arith.muli %arg1, %mul3A : i32
    %add3A = arith.addi %mul3A_0, %arg0 : i32
    %scan3A = arith.constant 0 : i32
    %scan3A_1 = arith.constant 0 : i32
    %scan3A_2 = arith.constant 32 : i32
    %scan3A_3 = arith.addi %scan3A_1, %scan3A_2 : i32
    %scan3A_4 = arith.constant 1 : i32
    %scan3A_5 = scf.for %scan3A_7 = %scan3A_1 to %scan3A_3 step %scan3A_4 iter_args(%scan3A_8 = %scan3A) -> (i32)  : i32 {
      %mul3A_9 = arith.constant 32 : i32
      %mul3A_10 = arith.muli %scan3A_7, %mul3A_9 : i32
      %add3A_11 = arith.addi %add3A, %mul3A_10 : i32
      %lt3A = arith.constant 1000 : i32
      %lt3A_12 = arith.cmpi slt, %add3A_11, %lt3A : i32
      %convert_element_type3A = arith.extui %lt3A_12 : i1 to i32
      %cond3A = arith.constant 0 : i32
      %cond3A_13 = arith.cmpi ne, %convert_element_type3A, %cond3A : i32
      scf.if %cond3A_13 {
        %mul3A_15 = arith.constant 6400 : i32
        %mul3A_16 = arith.muli %add3A_11, %mul3A_15 : i32
        %run_scoped3A = arith.constant 0 : i32
        "tpu.region"() ({
          %run_scoped3A_18 = tpu.sem_alloc : memref<!tpu.dma_semaphore, #tpu.memory_space<semaphore_mem>>
          %dma_start3A = tpu.memref_slice %arg2[%run_scoped3A, %mul3A_16] : memref<2x6400000xi32, #tpu.memory_space<hbm>> -> memref<1x6400xi32, #tpu.memory_space<hbm>>
          %dma_start3A_19 = tpu.memref_squeeze %dma_start3A : memref<1x6400xi32, #tpu.memory_space<hbm>> -> memref<6400xi32, #tpu.memory_space<hbm>>
          %dma_start3A_20 = tpu.memref_slice %arg2[%run_scoped3A, %mul3A_16] : memref<2x6400000xi32, #tpu.memory_space<hbm>> -> memref<1x6400xi32, #tpu.memory_space<hbm>>
          %dma_start3A_21 = tpu.memref_squeeze %dma_start3A_20 : memref<1x6400xi32, #tpu.memory_space<hbm>> -> memref<6400xi32, #tpu.memory_space<hbm>>
          tpu.enqueue_dma source(%dma_start3A_21 : memref<6400xi32, #tpu.memory_space<hbm>>) target(%arg5 : memref<6400xi32, #tpu.memory_space<vmem>>) target_semaphore(%run_scoped3A_18 : memref<!tpu.dma_semaphore, #tpu.memory_space<semaphore_mem>>)
          %dma_wait3A = tpu.memref_slice %arg2[%run_scoped3A, %mul3A_16] : memref<2x6400000xi32, #tpu.memory_space<hbm>> -> memref<1x6400xi32, #tpu.memory_space<hbm>>
          %dma_wait3A_22 = tpu.memref_squeeze %dma_wait3A : memref<1x6400xi32, #tpu.memory_space<hbm>> -> memref<6400xi32, #tpu.memory_space<hbm>>
          %dma_wait3A_23 = tpu.memref_slice %arg2[%run_scoped3A, %mul3A_16] : memref<2x6400000xi32, #tpu.memory_space<hbm>> -> memref<1x6400xi32, #tpu.memory_space<hbm>>
          %dma_wait3A_24 = tpu.memref_squeeze %dma_wait3A_23 : memref<1x6400xi32, #tpu.memory_space<hbm>> -> memref<6400xi32, #tpu.memory_space<hbm>>
          tpu.wait_dma2 semaphore(%run_scoped3A_18 : memref<!tpu.dma_semaphore, #tpu.memory_space<semaphore_mem>>) src(%dma_wait3A_24 : memref<6400xi32, #tpu.memory_space<hbm>>) dst(%arg5 : memref<6400xi32, #tpu.memory_space<vmem>>)
          tpu.yield
        }) : () -> ()
        %run_scoped3A_17 = arith.constant 1 : i32
        "tpu.region"() ({
          %run_scoped3A_18 = tpu.sem_alloc : memref<!tpu.dma_semaphore, #tpu.memory_space<semaphore_mem>>
          %dma_start3A = tpu.memref_slice %arg2[%run_scoped3A_17, %mul3A_16] : memref<2x6400000xi32, #tpu.memory_space<hbm>> -> memref<1x6400xi32, #tpu.memory_space<hbm>>
          %dma_start3A_19 = tpu.memref_squeeze %dma_start3A : memref<1x6400xi32, #tpu.memory_space<hbm>> -> memref<6400xi32, #tpu.memory_space<hbm>>
          %dma_start3A_20 = tpu.memref_slice %arg2[%run_scoped3A_17, %mul3A_16] : memref<2x6400000xi32, #tpu.memory_space<hbm>> -> memref<1x6400xi32, #tpu.memory_space<hbm>>
          %dma_start3A_21 = tpu.memref_squeeze %dma_start3A_20 : memref<1x6400xi32, #tpu.memory_space<hbm>> -> memref<6400xi32, #tpu.memory_space<hbm>>
          tpu.enqueue_dma source(%dma_start3A_21 : memref<6400xi32, #tpu.memory_space<hbm>>) target(%arg6 : memref<6400xi32, #tpu.memory_space<vmem>>) target_semaphore(%run_scoped3A_18 : memref<!tpu.dma_semaphore, #tpu.memory_space<semaphore_mem>>)
          %dma_wait3A = tpu.memref_slice %arg2[%run_scoped3A_17, %mul3A_16] : memref<2x6400000xi32, #tpu.memory_space<hbm>> -> memref<1x6400xi32, #tpu.memory_space<hbm>>
          %dma_wait3A_22 = tpu.memref_squeeze %dma_wait3A : memref<1x6400xi32, #tpu.memory_space<hbm>> -> memref<6400xi32, #tpu.memory_space<hbm>>
          %dma_wait3A_23 = tpu.memref_slice %arg2[%run_scoped3A_17, %mul3A_16] : memref<2x6400000xi32, #tpu.memory_space<hbm>> -> memref<1x6400xi32, #tpu.memory_space<hbm>>
          %dma_wait3A_24 = tpu.memref_squeeze %dma_wait3A_23 : memref<1x6400xi32, #tpu.memory_space<hbm>> -> memref<6400xi32, #tpu.memory_space<hbm>>
          tpu.wait_dma2 semaphore(%run_scoped3A_18 : memref<!tpu.dma_semaphore, #tpu.memory_space<semaphore_mem>>) src(%dma_wait3A_24 : memref<6400xi32, #tpu.memory_space<hbm>>) dst(%arg6 : memref<6400xi32, #tpu.memory_space<vmem>>)
          tpu.yield
        }) : () -> ()
        "tpu.region"() ({
          %run_scoped3A_18 = tpu.sem_alloc : memref<!tpu.dma_semaphore, #tpu.memory_space<semaphore_mem>>
          %dma_start3A = tpu.memref_slice %arg3[%mul3A_16] : memref<6400000xi32, #tpu.memory_space<hbm>> -> memref<6400xi32, #tpu.memory_space<hbm>>
          %dma_start3A_19 = tpu.memref_slice %arg3[%mul3A_16] : memref<6400000xi32, #tpu.memory_space<hbm>> -> memref<6400xi32, #tpu.memory_space<hbm>>
          tpu.enqueue_dma source(%arg5 : memref<6400xi32, #tpu.memory_space<vmem>>) target(%dma_start3A_19 : memref<6400xi32, #tpu.memory_space<hbm>>) target_semaphore(%run_scoped3A_18 : memref<!tpu.dma_semaphore, #tpu.memory_space<semaphore_mem>>)
          %dma_wait3A = tpu.memref_slice %arg3[%mul3A_16] : memref<6400000xi32, #tpu.memory_space<hbm>> -> memref<6400xi32, #tpu.memory_space<hbm>>
          %dma_wait3A_20 = tpu.memref_slice %arg3[%mul3A_16] : memref<6400000xi32, #tpu.memory_space<hbm>> -> memref<6400xi32, #tpu.memory_space<hbm>>
          tpu.wait_dma2 semaphore(%run_scoped3A_18 : memref<!tpu.dma_semaphore, #tpu.memory_space<semaphore_mem>>) src(%arg5 : memref<6400xi32, #tpu.memory_space<vmem>>) dst(%dma_wait3A_20 : memref<6400xi32, #tpu.memory_space<hbm>>)
          tpu.yield
        }) : () -> ()
        "tpu.region"() ({
          %run_scoped3A_18 = tpu.sem_alloc : memref<!tpu.dma_semaphore, #tpu.memory_space<semaphore_mem>>
          %dma_start3A = tpu.memref_slice %arg4[%mul3A_16] : memref<6400000xi32, #tpu.memory_space<hbm>> -> memref<6400xi32, #tpu.memory_space<hbm>>
          %dma_start3A_19 = tpu.memref_slice %arg4[%mul3A_16] : memref<6400000xi32, #tpu.memory_space<hbm>> -> memref<6400xi32, #tpu.memory_space<hbm>>
          tpu.enqueue_dma source(%arg6 : memref<6400xi32, #tpu.memory_space<vmem>>) target(%dma_start3A_19 : memref<6400xi32, #tpu.memory_space<hbm>>) target_semaphore(%run_scoped3A_18 : memref<!tpu.dma_semaphore, #tpu.memory_space<semaphore_mem>>)
          %dma_wait3A = tpu.memref_slice %arg4[%mul3A_16] : memref<6400000xi32, #tpu.memory_space<hbm>> -> memref<6400xi32, #tpu.memory_space<hbm>>
          %dma_wait3A_20 = tpu.memref_slice %arg4[%mul3A_16] : memref<6400000xi32, #tpu.memory_space<hbm>> -> memref<6400xi32, #tpu.memory_space<hbm>>
          tpu.wait_dma2 semaphore(%run_scoped3A_18 : memref<!tpu.dma_semaphore, #tpu.memory_space<semaphore_mem>>) src(%arg6 : memref<6400xi32, #tpu.memory_space<vmem>>) dst(%dma_wait3A_20 : memref<6400xi32, #tpu.memory_space<hbm>>)
          tpu.yield
        }) : () -> ()
      } else {
      }
      %scan3A_14 = arith.constant 0 : i32
      scf.yield %scan3A_14 : i32
    }
    %scan3A_6 = arith.constant 32 : i32
    return
  }
}

</mosaic_0001>

<sc_bundles>
// kernel: kernel.4.cloned.1.call-start
scs
__scs_entry_jumppad:
0x0: {  	(pc) =	sbr.rel $0x88, $3  }
0x1: {  	(tag) =	ssettag $0x0;
	lr =	simm.s32 $0x1  }
0x2: {  	[smem:$0x3F9E] =	sst lr;
	_ =	strace $0xD0000000  }
0x3: {  	_ = 	snop  }
0x4: {  	_ = 	snop  }
0x5: {  	_ = 	snop  }
0x6: {  	_ = 	snop  }
0x7: {  	_ = 	snop  }
__scs_overlays_trampoline_lowered:
0x8: {  	[smem:$0x3FAD] =	sst s0  }
0x9: {  	[smem:$0x3FAE] =	sst s1  }
0xa: {  	[smem:$0x3FAF] =	sst s2  }
0xb: {  	[smem:$0x3FB0] =	sst s3  }
0xc: {  	[smem:$0x3FB1] =	sst s4  }
0xd: {  	[smem:$0x3FB2] =	sst s5  }
0xe: {  	[smem:$0x3FB3] =	sst s6  }
0xf: {  	[smem:$0x3FB4] =	sst s7  }
0x10: {  	[smem:$0x3FB5] =	sst s8  }
0x11: {  	[smem:$0x3FB6] =	sst s9;
	s0 =	simm.s32 @!p0 $0x0  }
0x12: {  	s1 =	sld [smem:$0x3F9C];
	s0 =	simm.s32 @p0 $0x1  }
0x13: {  	[smem:$0x3FB7] =	sst s0;
	s0 =	simm.s32 @!p1 $0x0  }
0x14: {  	s2 =	sld [smem:$0x3F9B];
	s0 =	simm.s32 @p1 $0x1  }
0x15: {  	[smem:$0x3FB8] =	sst s0;
	s0 =	simm.s32 @!p2 $0x0  }
0x16: {  	s3 =	sld [smem:$0x3FDB];
	s0 =	simm.s32 @p2 $0x1  }
0x17: {  	s4 =	simm.s32 $0x1BF5;
	[smem:$0x3FBA] =	sst s0  }
0x18: {  	s0 =	sld [smem:$0x3F9D];
	_ =	swait.ge [sflag:s4], $0x0  }
0x19: {  	s7 =	sld [smem:$0x3F9E]  }
0x1a: {  	s8 =	sadd.s32 $0xFFFFE003, lr  }
0x1b: {  	s9 =	sadd.s32 $0xFFFFFEF7, lr;
	s5 =	simm.s32 $0xFFFFFFFF;
	p2 =	slt.u32 s8, $0xFFFFF086  }
0x1c: {  	p1 =	slt.u32 s9, $0xF7A;
	s5 =	simm.s32 @!p2 $0x0  }
0x1d: {  	s5 =	simm.s32 @p1 $0x1;
	p0 =	seq.s32 s7, s2  }
0x1e: {  	s7 =	smul.u32 @!p0 $0xF7A, s2;
	p2 =	seq.s32 @!p0 s5, $0x0  }
0x1f: {  	s9 =	smul.u32 $0xF7A, s1;
	s8 =	simm.s32 @!p0 $0x1BF5;
	p2 =	por !p2, p0  }
0x20: {  	[sflag:s8] =	ssyncset.s32 @!p0 $0xFFFFF086;
	s6 =	sadd.s32 @!p0 s3, s7;
	s7 =	simm.s32 @!p0 $0x108  }
0x21: {  	s3 =	sadd.s32 s3, s9;
	s6 =	sadd.s32 @!p0 $0x88, s6;
	s7 =	simm.s32 @p2 $0x1082  }
0x22: {  	[simem:s7], [sflag:s8] =	dma.local @!p0 [hbm:s6], $0xF7A  }
0x23: {  	s9 =	sor.u32 $0xD0000000, s2;
	s6 =	simm.s32 $0x108;
	_ =	swait.ge @!p0 [sflag:s8], $0x0  }
0x24: {  	s3 =	sadd.s32 $0x88, s3;
	s6 =	simm.s32 @!p1 $0x1082;
	[sflag:s4] =	ssyncset.s32 $0xFFFFF086  }
0x25: {  	[simem:s6], [sflag:s4] =	dma.local [hbm:s3], $0xF7A  }
0x26: {  	[smem:$0x3F9E] =	sst s1;
	(tag) =	ssettag s2;
	_ =	strace s9  }
0x27: {  	s1 =	sld [smem:$0x3FAE]  }
0x28: {  	s2 =	sld [smem:$0x3FAF]  }
0x29: {  	s4 =	sld [smem:$0x3FB1]  }
0x2a: {  	p0 =	seq.s32 s5, $0x0;
	s5 =	sld [smem:$0x3FB2]  }
0x2b: {  	s6 =	sld [smem:$0x3FB3]  }
0x2c: {  	s7 =	sld [smem:$0x3FB4]  }
0x2d: {  	s3 =	simm.s32 $0x108;
	s8 =	sld [smem:$0x3FB5]  }
0x2e: {  	s3 =	simm.s32 @!p0 $0x1082;
	s9 =	sld [smem:$0x3FB6]  }
0x2f: {  	lr =	sadd.s32 s0, s3;
	s0 =	sld [smem:$0x3FAD]  }
0x30: {  	s3 =	sld [smem:$0x3FB0]  }
0x31: {  	[smem:$0x3FB9] =	sst s10  }
0x32: {  	s10 =	sld [smem:$0x3FB7];
	_ =	sdelay $0x3  }
0x33: {  	p0 =	seq.s32 s10, $0x1;
	s10 =	sld [smem:$0x3FB9];
	_ =	sdelay $0x3  }
0x34: {  	[smem:$0x3FB9] =	sst s10  }
0x35: {  	s10 =	sld [smem:$0x3FB8];
	_ =	sdelay $0x3  }
0x36: {  	p1 =	seq.s32 s10, $0x1;
	s10 =	sld [smem:$0x3FB9];
	_ =	sdelay $0x3  }
0x37: {  	[smem:$0x3FB9] =	sst s10  }
0x38: {  	s10 =	sld [smem:$0x3FBA]  }
0x39: {  	_ = 	snop;
	(pc) =	sbr.ind lr, $3  }
0x3a: {  	_ = 	snop  }
0x3b: {  	_ = 	snop  }
0x3c: {  	p2 =	seq.s32 s10, $0x1;
	s10 =	sld [smem:$0x3FB9]  }
0x3d: {  	_ =	shalt  }
0x3e: {  	_ =	shalt  }
0x3f: {  	_ =	shalt  }
0x40: {  	_ =	shalt  }
0x41: {  	_ =	shalt  }
0x42: {  	_ =	shalt  }
0x43: {  	_ =	shalt  }
0x44: {  	_ =	shalt  }
0x45: {  	_ =	shalt  }
0x46: {  	_ =	shalt  }
0x47: {  	_ =	shalt  }
0x48: {  	_ =	shalt  }
0x49: {  	_ =	shalt  }
0x4a: {  	_ =	shalt  }
0x4b: {  	_ =	shalt  }
0x4c: {  	_ =	shalt  }
0x4d: {  	_ =	shalt  }
0x4e: {  	_ =	shalt  }
0x4f: {  	_ =	shalt  }
0x50: {  	_ =	shalt  }
0x51: {  	_ =	shalt  }
0x52: {  	_ =	shalt  }
0x53: {  	_ =	shalt  }
0x54: {  	_ =	shalt  }
0x55: {  	_ =	shalt  }
0x56: {  	_ =	shalt  }
0x57: {  	_ =	shalt  }
0x58: {  	_ =	shalt  }
0x59: {  	_ =	shalt  }
0x5a: {  	_ =	shalt  }
0x5b: {  	_ =	shalt  }
0x5c: {  	_ =	shalt  }
0x5d: {  	_ =	shalt  }
0x5e: {  	_ =	shalt  }
0x5f: {  	_ =	shalt  }
0x60: {  	_ =	shalt  }
0x61: {  	_ =	shalt  }
0x62: {  	_ =	shalt  }
0x63: {  	_ =	shalt  }
0x64: {  	_ =	shalt  }
0x65: {  	_ =	shalt  }
0x66: {  	_ =	shalt  }
0x67: {  	_ =	shalt  }
0x68: {  	_ =	shalt  }
0x69: {  	_ =	shalt  }
0x6a: {  	_ =	shalt  }
0x6b: {  	_ =	shalt  }
0x6c: {  	_ =	shalt  }
0x6d: {  	_ =	shalt  }
0x6e: {  	_ =	shalt  }
0x6f: {  	_ =	shalt  }
0x70: {  	_ =	shalt  }
0x71: {  	_ =	shalt  }
0x72: {  	_ =	shalt  }
0x73: {  	_ =	shalt  }
0x74: {  	_ =	shalt  }
0x75: {  	_ =	shalt  }
0x76: {  	_ =	shalt  }
0x77: {  	_ =	shalt  }
0x78: {  	_ =	shalt  }
0x79: {  	_ =	shalt  }
0x7a: {  	_ =	shalt  }
0x7b: {  	_ =	shalt  }
0x7c: {  	_ =	shalt  }
0x7d: {  	_ =	shalt  }
0x7e: {  	_ =	shalt  }
0x7f: {  	_ =	shalt  }
0x80: {  	_ =	shalt  }
0x81: {  	_ =	shalt  }
0x82: {  	_ =	shalt  }
0x83: {  	_ =	shalt  }
0x84: {  	_ =	shalt  }
0x85: {  	_ =	shalt  }
0x86: {  	_ =	shalt  }
0x87: {  	_ =	shalt  }
.Lfunc_end0:
.L_simem_size_0:
called_computation_lowered:
.L_overlay_start_0:
0x88: {  	s2 =	sld [smem:$0x3FD9]  }
0x89: {  	s3 =	sld [smem:$0x3FFE];
	_ =	sdelay $0x1  }
0x8a: {  	s1 =	srdreg.scid  }
0x8b: {  	s0 =	sand.u32 $0x1, s1  }
0x8c: {  	s17 =	sshll.u32 s0, $0xA;
	s2 =	sadd.s32 s3, s2  }
0x8d: {  	s2 =	sadd.s32 s2, s17  }
0x8e: {  	[smem:$0x3FC5] =	sst s2  }
0x8f: {  	_ = 	snop  }
0x90: {  	s2 =	sld [smem:$0x3FC8];
	(tm) =	ssettm $0x1  }
0x91: {  	s18 =	sld [smem:$0x3FFB];
	_ =	sdelay $0x3  }
0x92: {  	_ =	strace s18  }
0x93: {  	s3 =	sld [smem:$0x3FFC];
	_ =	sdelay $0x3  }
0x94: {  	_ =	strace s3  }
0x95: {  	s3 =	sld [smem:$0x3FFD];
	_ =	sdelay $0x3  }
0x96: {  	_ =	strace s3  }
0x97: {  	_ =	strace $0x8FFFFFFF  }
0x98: {  	s19 =	sld [smem:$0x3FDB];
	_ =	sdelay $0x1  }
0x99: {  	s4 =	simm.s32 $_scs_section_size  }
0x9a: {  	s5 =	simm.s32 $_size__tile_overlayer_lowered;
	s6 =	simm.s32 $_tile_overlayer_lowered  }
0x9b: {  	s22 =	simm.s32 $0x1BFF;
	s21 =	sshll.u32 s6, $0x1;
	s3 =	sadd.s32 s4, s19  }
0x9c: {  	s7 =	simm.s32 $0x0;
	s20 =	sshll.u32 s5, $0x1;
	s5 =	sadd.s32 s21, s3  }
0x9d: {  	[timem:s7], [sflag:s22] =	dma.local [hbm:s5], s20  }
0x9e: {  	_ =	swait.ge [sflag:s22], s20  }
0x9f: {  	s4 =	ssub.s32 $0x0, s20;
	[sflag:s22] =	ssyncset.done $0x0  }
0xa0: {  	[sflag:s22] =	ssyncadd.s32 s4;
	_ =	sdelay $0x1  }
0xa1: {  	s23 =	simm.s32 $0x1B8B  }
0xa2: {  	_ =	swait.ge [sflag:s23], $0x1  }
0xa3: {  	[sflag:s23] =	ssyncset.done $0x0  }
0xa4: {  	s25 =	simm.s32 $0x1B8E;
	s24 =	sld [smem:$0x3FFE];
	[sflag:s23] =	ssyncadd.s32 $0xFFFFFFFF  }
0xa5: {  	s26 =	simm.s32 $execute0_lowered;
	[smem:$0x3FD2] =	sst s25  }
0xa6: {  	s5 =	sshll.u32 s26, $0x1;
	_ =	strace $0x80000046;
	[dreg:$0x1] =	wrdreg $0xFFFFFFFF  }
0xa7: {  	s28 =	simm.s32 $_size_execute0_lowered;
	s3 =	sadd.s32 s3, s5;
	[dreg:$0x0] =	wrdreg $0x0  }
0xa8: {  	s5 =	sshll.u32 s28, $0x1;
	[dreg:$0x2] =	wrdreg s3  }
0xa9: {  	[dreg:$0x3] =	wrdreg s5  }
0xaa: {  	[dreg:$0x4] =	wrdreg $0xC0  }
0xab: {  	_ =	task [dreg:s7], $0x5FFFF  }
0xac: {  	[dreg:$0x1] =	wrdreg $0xFFFFFFFF  }
0xad: {  	[dreg:$0x0] =	wrdreg $0x60  }
0xae: {  	[dreg:$0x2] =	wrdreg s2  }
0xaf: {  	[dreg:$0x3] =	wrdreg s24  }
0xb0: {  	[dreg:$0x4] =	wrdreg $0x9  }
0xb1: {  	_ =	task.clear_ibuf [dreg:s7], $0x5FFFF;
	_ =	strace $0x90000046  }
0xb2: {  	s29 =	simm.s32 $0x9;
	_ =	strace $0x80000048  }
0xb3: {  	_ =	swait.ge [sflag:s29], $0x1  }
0xb4: {  	[sflag:s29] =	ssyncadd.s32 $0xFFFFFFFF  }
0xb5: {  	_ =	strace $0x90000048  }
0xb6: {  	_ =	sfence  }
0xb7: {  	s30 =	sld [smem:$0x0];
	_ =	sdelay $0x2  }
0xb8: {  	s31 =	sshll.u32 s1, $0xD;
	s1 =	sshrl.u32 s1, $0x2  }
0xb9: {  	s3 =	sand.u32 $0x4000, s31;
	s1 =	sadd.s32 s1, s30  }
0xba: {  	s0 =	sor.u32 s3, s0;
	s1 =	sshll.u32 s1, $0x11  }
0xbb: {  	s0 =	sor.u32 s1, s0  }
0xbc: {  	s0 =	sadd.s32 $0x8F2B, s0  }
0xbd: {  	[sflag:s0] =	ssyncadd.remote.s32 $0x1  }
0xbe: {  	_ =	sfence.sel $0xFFFF  }
0xbf: {  	[dreg:$0x0] =	wrdreg $0xFFFFFFFF;
	(pc) =	sbr.abs _section_cstart, $3  }
0xc0: {  	[dreg:$0x1] =	wrdreg $0xFFFFFFFF  }
0xc1: {  	_ =	task.clear_ibuf [dreg:s7], $0x2FFFF;
	_ =	strace $0x9FFFFFFF  }
0xc2: {  	(tm) =	ssettm $0x7FFFFFFF  }
0xc3: {  	_ =	shalt  }
tec
execute0_lowered:
.L_overlay_start_1:
0x0: {  	(tag) =	ssettag $0x1  }
0x1: {  	s3 =	rddreg [dreg:$0x0]  }
0x2: {  	s0 =	stileid.u32;
	s1 =	srdreg.scid  }
0x3: {  	s4 =	rddreg [dreg:$0x1];
	s2 =	simm.s32 $0x0;
	s5 =	smul.u32 $0x640, s0  }
0x4: {  	s6 =	sand.u32 $0x1, s1;
	s1 =	rddreg [dreg:$0x2];
	s8 =	smul.u32 $0xC80, s0  }
0x5: {  	[smem:$0x7FF] =	sst s2;
	s7 =	ssub.s32 $0x2, s6;
	s31 =	smul.u32 $0x320, s6  }
0x6: {  	_ =	strace $0x80000047;
	s6 =	smul.u32 $0x640, s6;
	s5 =	sadd.s32 s5, s4  }
0x7: {  	s30 =	sshrl.u32 s7, $0x1;
	s8 =	sadd.s32 s8, s3;
	s3 =	sshll.u32 s0, $0x1  }
0x8: {  	s4 =	ssub.s32 s7, s30;
	s7 =	sadd.s32 s31, s5;
	s5 =	sadd.s32 s6, s8  }
0x9: {  	s4 =	smax.u32 s4, $0x1;
	s6 =	sadd.s32 $0x1000, s7;
	s7 =	sadd.s32 $0xC4600, s7  }
.LBB2_1:
0xa: {  	p0 =	sgt.u32 s3, $0x3E7  }
0xb: {  	s8 =	sadd.s32 @!p0 $0x0, s5;
	s9 =	simm.s32 @!p0 $0x80  }
0xc: {  	s10 =	simm.s32 @!p0 $0x100;
	s11 =	simm.s32 @!p0 $0x0;
	s13 =	simm.s32 @!p0 $0x2  }
0xd: {  	[tilespmem:s11], [sflag:$0x2] =	stream.strided.gather @!p0 [hbm4b:s8+s9], $0x1900, s10, s9, $0x38;
	[tilespmem:$0x3200] =	vst v63  }
0xe: {  	_ =	swait.ge @!p0 [sflag:s13], $0x1900  }
0xf: {  	s14 =	simm.s32 @!p0 $0x1900;
	[sflag:s13] =	ssyncset.done @!p0 $0x0  }
0x10: {  	s8 =	sadd.s32 @!p0 $0x10, s8;
	[sflag:s13] =	ssyncadd.s32 @!p0 $0xFFFFE700;
	p0 =	por p0, p0  }
0x11: {  	[tilespmem:s14], [sflag:$0x2] =	stream.strided.gather @!p0 [hbm4b:s8+s9], $0x1900, s10, s9, $0x38;
	[tilespmem:$0x3200] =	vst v63  }
0x12: {  	_ =	swait.ge @!p0 [sflag:s13], $0x1900  }
0x13: {  	[sflag:s13] =	ssyncset.done @!p0 $0x0  }
0x14: {  	[sflag:s13] =	ssyncadd.s32 @!p0 $0xFFFFE700  }
0x15: {  	[hbm4b:s6+s11] =	stream.linear.scatter @!p0 [tilespmem:s11], [sflag:$0x2], $0x1900, $0x38;
	[tilespmem:$0x3200] =	vst v63  }
0x16: {  	_ =	swait.ge @!p0 [sflag:s13], $0x1900  }
0x17: {  	s12 =	simm.s32 $0xC800;
	s10 =	simm.s32 $0x19000;
	[sflag:s13] =	ssyncset.done @!p0 $0x0  }
0x18: {  	s8 =	sadd.s32 $0x6400, s7;
	[sflag:s13] =	ssyncadd.s32 @!p0 $0xFFFFE700;
	s13 =	simm.s32 @!p0 $0x1  }
0x19: {  	[hbm4b:s7+s11] =	stream.linear.scatter @!p0 [tilespmem:s14], [sflag:$0x1], $0x1900, $0x38;
	[tilespmem:$0x3200] =	vst v63  }
0x1a: {  	s9 =	sadd.s32 $0x6400, s6;
	s11 =	sadd.s32 $0x20, s3;
	_ =	swait.ge @!p0 [sflag:s13], $0x1900  }
.LBB2_2:
0x1b: {  	p2 =	sgt.u32 s11, $0x3E7;
	[sflag:s13] =	ssyncset.done @!p0 $0x0  }
0x1c: {  	s14 =	smov.u32 s10;
	s10 =	sadd.s32 $0xC800, s10;
	s15 =	smov.u32 s8  }
0x1d: {  	s12 =	sadd.s32 @!p2 s12, s5;
	s16 =	simm.s32 @!p2 $0x80;
	[sflag:s13] =	ssyncadd.s32 @!p0 $0xFFFFE700  }
0x1e: {  	s13 =	simm.s32 @!p2 $0x100;
	s17 =	simm.s32 @!p2 $0x0;
	s18 =	simm.s32 @!p2 $0x2  }
0x1f: {  	[tilespmem:s17], [sflag:$0x2] =	stream.strided.gather @!p2 [hbm4b:s12+s16], $0x1900, s13, s16, $0x38;
	[tilespmem:$0x3200] =	vst v63  }
0x20: {  	p1 =	sne.s32 s10, $0x190000;
	s19 =	sadd.s32 @!p2 $0x10, s12;
	_ =	swait.ge @!p2 [sflag:s18], $0x1900  }
0x21: {  	s20 =	simm.s32 @!p2 $0x1900;
	s12 =	smov.u32 s14;
	[sflag:s18] =	ssyncset.done @!p2 $0x0  }
0x22: {  	p0 =	por p2, p2;
	[sflag:s18] =	ssyncadd.s32 @!p2 $0xFFFFE700  }
0x23: {  	[tilespmem:s20], [sflag:$0x2] =	stream.strided.gather @!p0 [hbm4b:s19+s16], $0x1900, s13, s16, $0x38;
	[tilespmem:$0x3200] =	vst v63  }
0x24: {  	_ =	swait.ge @!p0 [sflag:s18], $0x1900  }
0x25: {  	[sflag:s18] =	ssyncset.done @!p0 $0x0  }
0x26: {  	[sflag:s18] =	ssyncadd.s32 @!p0 $0xFFFFE700  }
0x27: {  	[hbm4b:s9+s17] =	stream.linear.scatter @!p0 [tilespmem:s17], [sflag:$0x2], $0x1900, $0x38;
	[tilespmem:$0x3200] =	vst v63  }
.Ltmp0:
0x28: {  	_ =	swait.ge @!p0 [sflag:s18], $0x1900;
	(pc) =	sbr.rel @p1 .LBB2_2-.Ltmp0, $4  }
0x29: {  	[sflag:s18] =	ssyncset.done @!p0 $0x0  }
0x2a: {  	s8 =	sadd.s32 $0x6400, s8;
	s13 =	simm.s32 @!p0 $0x1;
	[sflag:s18] =	ssyncadd.s32 @!p0 $0xFFFFE700  }
0x2b: {  	[hbm4b:s15+s17] =	stream.linear.scatter @!p0 [tilespmem:s20], [sflag:$0x1], $0x1900, $0x38;
	[tilespmem:$0x3200] =	vst v63  }
0x2c: {  	s11 =	sadd.s32 $0x20, s11;
	s9 =	sadd.s32 $0x6400, s9;
	_ =	swait.ge @!p0 [sflag:s13], $0x1900  }
0x2d: {  	p1 =	sgt.u32 s11, $0x3E7;
	[sflag:s13] =	ssyncset.done @!p0 $0x0  }
0x2e: {  	s10 =	sadd.s32 @!p1 s12, s5;
	s11 =	simm.s32 @!p1 $0x80;
	[sflag:s13] =	ssyncadd.s32 @!p0 $0xFFFFE700  }
0x2f: {  	s12 =	simm.s32 @!p1 $0x100;
	s13 =	simm.s32 @!p1 $0x0;
	s14 =	simm.s32 @!p1 $0x2  }
0x30: {  	[tilespmem:s13], [sflag:$0x2] =	stream.strided.gather @!p1 [hbm4b:s10+s11], $0x1900, s12, s11, $0x38;
	[tilespmem:$0x3200] =	vst v63  }
0x31: {  	_ =	swait.ge @!p1 [sflag:s14], $0x1900  }
0x32: {  	s15 =	simm.s32 @!p1 $0x1900;
	[sflag:s14] =	ssyncset.done @!p1 $0x0  }
0x33: {  	p0 =	por p1, p1;
	s10 =	sadd.s32 @!p1 $0x10, s10;
	[sflag:s14] =	ssyncadd.s32 @!p1 $0xFFFFE700  }
0x34: {  	[tilespmem:s15], [sflag:$0x2] =	stream.strided.gather @!p0 [hbm4b:s10+s11], $0x1900, s12, s11, $0x38;
	[tilespmem:$0x3200] =	vst v63  }
0x35: {  	_ =	swait.ge @!p0 [sflag:s14], $0x1900  }
0x36: {  	[sflag:s14] =	ssyncset.done @!p0 $0x0  }
0x37: {  	[sflag:s14] =	ssyncadd.s32 @!p0 $0xFFFFE700  }
0x38: {  	[hbm4b:s9+s13] =	stream.linear.scatter @!p0 [tilespmem:s13], [sflag:$0x2], $0x1900, $0x38;
	[tilespmem:$0x3200] =	vst v63  }
0x39: {  	s2 =	sadd.s32 $0x1, s2;
	_ =	swait.ge @!p0 [sflag:s14], $0x1900  }
0x3a: {  	p1 =	sne.s32 s2, s4;
	[sflag:s14] =	ssyncset.done @!p0 $0x0  }
.Ltmp1:
0x3b: {  	s9 =	simm.s32 @!p0 $0x1;
	[sflag:s14] =	ssyncadd.s32 @!p0 $0xFFFFE700;
	(pc) =	sbr.rel @p1 .LBB2_1-.Ltmp1, $4  }
0x3c: {  	[hbm4b:s8+s13] =	stream.linear.scatter @!p0 [tilespmem:s15], [sflag:$0x1], $0x1900, $0x38;
	[tilespmem:$0x3200] =	vst v63  }
0x3d: {  	_ =	swait.ge @!p0 [sflag:s9], $0x1900  }
0x3e: {  	[sflag:s9] =	ssyncset.done @!p0 $0x0  }
0x3f: {  	[sflag:s9] =	ssyncadd.s32 @!p0 $0xFFFFE700  }
0x40: {  	_ =	sfence.sel $0x180000  }
0x41: {  	[bflag:$0x0] =	sbarrier.arrive $0xFFFF  }
0x42: {  	p0 =	sne.s32 s0, $0x0;
	_ =	strace $0x90000047  }
0x43: {  	s0 =	sadd.s32 @!p0 $0x100000, s1;
	[bflag:$0x2] =	sbarrier.arrive $0xFFFF  }
0x44: {  	[sflag:s0] =	ssyncadd.tile.s32 @!p0 $0x1;
	_ =	shalt  }
.Lfunc_end2:
_tile_overlayer_lowered:
.L_overlay_start_2:
0x45: {  	(tag) =	ssettag $0x2  }
0x46: {  	s0 =	rddreg [dreg:$0x0];
	s2 =	stileid.u32  }
0x47: {  	s1 =	rddreg [dreg:$0x1];
	p0 =	sne.s32 s2, $0x0  }
0x48: {  	s3 =	rddreg [dreg:$0x2];
	[bflag:$0x3] =	sbarrier.arrive $0xFFFF;
	s2 =	simm.s32 @!p0 $0x1C01  }
0x49: {  	[timem:s3], [sflag:s2] =	dma.local @!p0 [hbm:s0], s1  }
0x4a: {  	s0 =	simm.s32 @!p0 $0x1  }
0x4b: {  	_ =	swait.ge @!p0 [sflag:s0], s1  }
0x4c: {  	s1 =	ssub.s32 @!p0 $0x0, s1;
	[sflag:s0] =	ssyncset.done @!p0 $0x0  }
0x4d: {  	[sflag:s0] =	ssyncadd.s32 @!p0 s1  }
0x4e: {  	[bflag:$0x3] =	sbarrier.arrive $0xFFFF  }
0x4f: {  	_ =	shalt  }

// kernel: kernel.7.cloned.1.call-start
scs
__scs_entry_jumppad:
0x0: {  	(pc) =	sbr.rel $0x88, $3  }
0x1: {  	(tag) =	ssettag $0x0;
	lr =	simm.s32 $0x1  }
0x2: {  	[smem:$0x3F9E] =	sst lr;
	_ =	strace $0xD0000000  }
0x3: {  	_ = 	snop  }
0x4: {  	_ = 	snop  }
0x5: {  	_ = 	snop  }
0x6: {  	_ = 	snop  }
0x7: {  	_ = 	snop  }
__scs_overlays_trampoline_lowered:
0x8: {  	[smem:$0x3FAD] =	sst s0  }
0x9: {  	[smem:$0x3FAE] =	sst s1  }
0xa: {  	[smem:$0x3FAF] =	sst s2  }
0xb: {  	[smem:$0x3FB0] =	sst s3  }
0xc: {  	[smem:$0x3FB1] =	sst s4  }
0xd: {  	[smem:$0x3FB2] =	sst s5  }
0xe: {  	[smem:$0x3FB3] =	sst s6  }
0xf: {  	[smem:$0x3FB4] =	sst s7  }
0x10: {  	[smem:$0x3FB5] =	sst s8  }
0x11: {  	[smem:$0x3FB6] =	sst s9;
	s0 =	simm.s32 @!p0 $0x0  }
0x12: {  	s1 =	sld [smem:$0x3F9C];
	s0 =	simm.s32 @p0 $0x1  }
0x13: {  	[smem:$0x3FB7] =	sst s0;
	s0 =	simm.s32 @!p1 $0x0  }
0x14: {  	s2 =	sld [smem:$0x3F9B];
	s0 =	simm.s32 @p1 $0x1  }
0x15: {  	[smem:$0x3FB8] =	sst s0;
	s0 =	simm.s32 @!p2 $0x0  }
0x16: {  	s3 =	sld [smem:$0x3FDB];
	s0 =	simm.s32 @p2 $0x1  }
0x17: {  	s4 =	simm.s32 $0x1BF5;
	[smem:$0x3FBA] =	sst s0  }
0x18: {  	s0 =	sld [smem:$0x3F9D];
	_ =	swait.ge [sflag:s4], $0x0  }
0x19: {  	s7 =	sld [smem:$0x3F9E]  }
0x1a: {  	s8 =	sadd.s32 $0xFFFFE003, lr  }
0x1b: {  	s9 =	sadd.s32 $0xFFFFFEF7, lr;
	s5 =	simm.s32 $0xFFFFFFFF;
	p2 =	slt.u32 s8, $0xFFFFF086  }
0x1c: {  	p1 =	slt.u32 s9, $0xF7A;
	s5 =	simm.s32 @!p2 $0x0  }
0x1d: {  	s5 =	simm.s32 @p1 $0x1;
	p0 =	seq.s32 s7, s2  }
0x1e: {  	s7 =	smul.u32 @!p0 $0xF7A, s2;
	p2 =	seq.s32 @!p0 s5, $0x0  }
0x1f: {  	s9 =	smul.u32 $0xF7A, s1;
	s8 =	simm.s32 @!p0 $0x1BF5;
	p2 =	por !p2, p0  }
0x20: {  	[sflag:s8] =	ssyncset.s32 @!p0 $0xFFFFF086;
	s6 =	sadd.s32 @!p0 s3, s7;
	s7 =	simm.s32 @!p0 $0x108  }
0x21: {  	s3 =	sadd.s32 s3, s9;
	s6 =	sadd.s32 @!p0 $0x88, s6;
	s7 =	simm.s32 @p2 $0x1082  }
0x22: {  	[simem:s7], [sflag:s8] =	dma.local @!p0 [hbm:s6], $0xF7A  }
0x23: {  	s9 =	sor.u32 $0xD0000000, s2;
	s6 =	simm.s32 $0x108;
	_ =	swait.ge @!p0 [sflag:s8], $0x0  }
0x24: {  	s3 =	sadd.s32 $0x88, s3;
	s6 =	simm.s32 @!p1 $0x1082;
	[sflag:s4] =	ssyncset.s32 $0xFFFFF086  }
0x25: {  	[simem:s6], [sflag:s4] =	dma.local [hbm:s3], $0xF7A  }
0x26: {  	[smem:$0x3F9E] =	sst s1;
	(tag) =	ssettag s2;
	_ =	strace s9  }
0x27: {  	s1 =	sld [smem:$0x3FAE]  }
0x28: {  	s2 =	sld [smem:$0x3FAF]  }
0x29: {  	s4 =	sld [smem:$0x3FB1]  }
0x2a: {  	p0 =	seq.s32 s5, $0x0;
	s5 =	sld [smem:$0x3FB2]  }
0x2b: {  	s6 =	sld [smem:$0x3FB3]  }
0x2c: {  	s7 =	sld [smem:$0x3FB4]  }
0x2d: {  	s3 =	simm.s32 $0x108;
	s8 =	sld [smem:$0x3FB5]  }
0x2e: {  	s3 =	simm.s32 @!p0 $0x1082;
	s9 =	sld [smem:$0x3FB6]  }
0x2f: {  	lr =	sadd.s32 s0, s3;
	s0 =	sld [smem:$0x3FAD]  }
0x30: {  	s3 =	sld [smem:$0x3FB0]  }
0x31: {  	[smem:$0x3FB9] =	sst s10  }
0x32: {  	s10 =	sld [smem:$0x3FB7];
	_ =	sdelay $0x3  }
0x33: {  	p0 =	seq.s32 s10, $0x1;
	s10 =	sld [smem:$0x3FB9];
	_ =	sdelay $0x3  }
0x34: {  	[smem:$0x3FB9] =	sst s10  }
0x35: {  	s10 =	sld [smem:$0x3FB8];
	_ =	sdelay $0x3  }
0x36: {  	p1 =	seq.s32 s10, $0x1;
	s10 =	sld [smem:$0x3FB9];
	_ =	sdelay $0x3  }
0x37: {  	[smem:$0x3FB9] =	sst s10  }
0x38: {  	s10 =	sld [smem:$0x3FBA]  }
0x39: {  	_ = 	snop;
	(pc) =	sbr.ind lr, $3  }
0x3a: {  	_ = 	snop  }
0x3b: {  	_ = 	snop  }
0x3c: {  	p2 =	seq.s32 s10, $0x1;
	s10 =	sld [smem:$0x3FB9]  }
0x3d: {  	_ =	shalt  }
0x3e: {  	_ =	shalt  }
0x3f: {  	_ =	shalt  }
0x40: {  	_ =	shalt  }
0x41: {  	_ =	shalt  }
0x42: {  	_ =	shalt  }
0x43: {  	_ =	shalt  }
0x44: {  	_ =	shalt  }
0x45: {  	_ =	shalt  }
0x46: {  	_ =	shalt  }
0x47: {  	_ =	shalt  }
0x48: {  	_ =	shalt  }
0x49: {  	_ =	shalt  }
0x4a: {  	_ =	shalt  }
0x4b: {  	_ =	shalt  }
0x4c: {  	_ =	shalt  }
0x4d: {  	_ =	shalt  }
0x4e: {  	_ =	shalt  }
0x4f: {  	_ =	shalt  }
0x50: {  	_ =	shalt  }
0x51: {  	_ =	shalt  }
0x52: {  	_ =	shalt  }
0x53: {  	_ =	shalt  }
0x54: {  	_ =	shalt  }
0x55: {  	_ =	shalt  }
0x56: {  	_ =	shalt  }
0x57: {  	_ =	shalt  }
0x58: {  	_ =	shalt  }
0x59: {  	_ =	shalt  }
0x5a: {  	_ =	shalt  }
0x5b: {  	_ =	shalt  }
0x5c: {  	_ =	shalt  }
0x5d: {  	_ =	shalt  }
0x5e: {  	_ =	shalt  }
0x5f: {  	_ =	shalt  }
0x60: {  	_ =	shalt  }
0x61: {  	_ =	shalt  }
0x62: {  	_ =	shalt  }
0x63: {  	_ =	shalt  }
0x64: {  	_ =	shalt  }
0x65: {  	_ =	shalt  }
0x66: {  	_ =	shalt  }
0x67: {  	_ =	shalt  }
0x68: {  	_ =	shalt  }
0x69: {  	_ =	shalt  }
0x6a: {  	_ =	shalt  }
0x6b: {  	_ =	shalt  }
0x6c: {  	_ =	shalt  }
0x6d: {  	_ =	shalt  }
0x6e: {  	_ =	shalt  }
0x6f: {  	_ =	shalt  }
0x70: {  	_ =	shalt  }
0x71: {  	_ =	shalt  }
0x72: {  	_ =	shalt  }
0x73: {  	_ =	shalt  }
0x74: {  	_ =	shalt  }
0x75: {  	_ =	shalt  }
0x76: {  	_ =	shalt  }
0x77: {  	_ =	shalt  }
0x78: {  	_ =	shalt  }
0x79: {  	_ =	shalt  }
0x7a: {  	_ =	shalt  }
0x7b: {  	_ =	shalt  }
0x7c: {  	_ =	shalt  }
0x7d: {  	_ =	shalt  }
0x7e: {  	_ =	shalt  }
0x7f: {  	_ =	shalt  }
0x80: {  	_ =	shalt  }
0x81: {  	_ =	shalt  }
0x82: {  	_ =	shalt  }
0x83: {  	_ =	shalt  }
0x84: {  	_ =	shalt  }
0x85: {  	_ =	shalt  }
0x86: {  	_ =	shalt  }
0x87: {  	_ =	shalt  }
.Lfunc_end0:
.L_simem_size_0:
called_computation.1_lowered:
.L_overlay_start_0:
0x88: {  	s2 =	sld [smem:$0x3FD9]  }
0x89: {  	s3 =	sld [smem:$0x3FFE];
	_ =	sdelay $0x1  }
0x8a: {  	s1 =	srdreg.scid  }
0x8b: {  	s0 =	sand.u32 $0x1, s1  }
0x8c: {  	s17 =	sshll.u32 s0, $0xA;
	s2 =	sadd.s32 s3, s2  }
0x8d: {  	s2 =	sadd.s32 s2, s17  }
0x8e: {  	[smem:$0x3FC5] =	sst s2  }
0x8f: {  	_ = 	snop  }
0x90: {  	s2 =	sld [smem:$0x3FD0];
	(tm) =	ssettm $0x1  }
0x91: {  	s18 =	sld [smem:$0x3FFB];
	_ =	sdelay $0x3  }
0x92: {  	_ =	strace s18  }
0x93: {  	s3 =	sld [smem:$0x3FFC];
	_ =	sdelay $0x3  }
0x94: {  	_ =	strace s3  }
0x95: {  	s3 =	sld [smem:$0x3FFD];
	_ =	sdelay $0x3  }
0x96: {  	_ =	strace s3  }
0x97: {  	_ =	strace $0x8FFFFFFF  }
0x98: {  	s19 =	sld [smem:$0x3FDB];
	_ =	sdelay $0x1  }
0x99: {  	s4 =	simm.s32 $_scs_section_size  }
0x9a: {  	s5 =	simm.s32 $_size__tile_overlayer_lowered;
	s6 =	simm.s32 $_tile_overlayer_lowered  }
0x9b: {  	s22 =	simm.s32 $0x1BFF;
	s21 =	sshll.u32 s6, $0x1;
	s3 =	sadd.s32 s4, s19  }
0x9c: {  	s7 =	simm.s32 $0x0;
	s20 =	sshll.u32 s5, $0x1;
	s5 =	sadd.s32 s21, s3  }
0x9d: {  	[timem:s7], [sflag:s22] =	dma.local [hbm:s5], s20  }
0x9e: {  	_ =	swait.ge [sflag:s22], s20  }
0x9f: {  	s4 =	ssub.s32 $0x0, s20;
	[sflag:s22] =	ssyncset.done $0x0  }
0xa0: {  	[sflag:s22] =	ssyncadd.s32 s4;
	_ =	sdelay $0x1  }
0xa1: {  	s23 =	simm.s32 $0x1B8B  }
0xa2: {  	_ =	swait.ge [sflag:s23], $0x1  }
0xa3: {  	[sflag:s23] =	ssyncset.done $0x0  }
0xa4: {  	s25 =	simm.s32 $0x1B8E;
	s24 =	sld [smem:$0x3FFE];
	[sflag:s23] =	ssyncadd.s32 $0xFFFFFFFF  }
0xa5: {  	s26 =	simm.s32 $execute0_lowered;
	[smem:$0x3FD2] =	sst s25  }
0xa6: {  	s5 =	sshll.u32 s26, $0x1;
	_ =	strace $0x80000049;
	[dreg:$0x1] =	wrdreg $0xFFFFFFFF  }
0xa7: {  	s28 =	simm.s32 $_size_execute0_lowered;
	s3 =	sadd.s32 s3, s5;
	[dreg:$0x0] =	wrdreg $0x0  }
0xa8: {  	s5 =	sshll.u32 s28, $0x1;
	[dreg:$0x2] =	wrdreg s3  }
0xa9: {  	[dreg:$0x3] =	wrdreg s5  }
0xaa: {  	[dreg:$0x4] =	wrdreg $0xC0  }
0xab: {  	_ =	task [dreg:s7], $0x5FFFF  }
0xac: {  	[dreg:$0x1] =	wrdreg $0xFFFFFFFF  }
0xad: {  	[dreg:$0x0] =	wrdreg $0x60  }
0xae: {  	[dreg:$0x2] =	wrdreg s24  }
0xaf: {  	[dreg:$0x3] =	wrdreg s2  }
0xb0: {  	[dreg:$0x4] =	wrdreg $0x9  }
0xb1: {  	_ =	task.clear_ibuf [dreg:s7], $0x5FFFF;
	_ =	strace $0x90000049  }
0xb2: {  	s29 =	simm.s32 $0x9;
	_ =	strace $0x8000004B  }
0xb3: {  	_ =	swait.ge [sflag:s29], $0x1  }
0xb4: {  	[sflag:s29] =	ssyncadd.s32 $0xFFFFFFFF  }
0xb5: {  	_ =	strace $0x9000004B  }
0xb6: {  	_ =	sfence  }
0xb7: {  	s30 =	sld [smem:$0x0];
	_ =	sdelay $0x2  }
0xb8: {  	s31 =	sshll.u32 s1, $0xD;
	s1 =	sshrl.u32 s1, $0x2  }
0xb9: {  	s3 =	sand.u32 $0x4000, s31;
	s1 =	sadd.s32 s1, s30  }
0xba: {  	s0 =	sor.u32 s3, s0;
	s1 =	sshll.u32 s1, $0x11  }
0xbb: {  	s0 =	sor.u32 s1, s0  }
0xbc: {  	s0 =	sadd.s32 $0x8F2B, s0  }
0xbd: {  	[sflag:s0] =	ssyncadd.remote.s32 $0x1  }
0xbe: {  	_ =	sfence.sel $0xFFFF  }
0xbf: {  	[dreg:$0x0] =	wrdreg $0xFFFFFFFF;
	(pc) =	sbr.abs _section_cstart, $3  }
0xc0: {  	[dreg:$0x1] =	wrdreg $0xFFFFFFFF  }
0xc1: {  	_ =	task.clear_ibuf [dreg:s7], $0x2FFFF;
	_ =	strace $0x9FFFFFFF  }
0xc2: {  	(tm) =	ssettm $0x7FFFFFFF  }
0xc3: {  	_ =	shalt  }
tec
execute0_lowered:
.L_overlay_start_1:
0x0: {  	(tag) =	ssettag $0x1  }
0x1: {  	s0 =	rddreg [dreg:$0x0]  }
0x2: {  	s1 =	rddreg [dreg:$0x1];
	s2 =	simm.s32 $0x0  }
0x3: {  	s4 =	srdreg.scid;
	s9 =	stileid.u32;
	s31 =	simm.s32 $0x3  }
0x4: {  	[smem:$0x7FF] =	sst s2;
	s3 =	sadd.s32 $0x30E600, s0;
	s5 =	sadd.s32 $0x1000, s0  }
0x5: {  	s6 =	sadd.s32 $0xC4600, s0;
	s7 =	sadd.s32 $0x3EA400, s0;
	s4 =	sand.u32 $0x1, s4  }
0x6: {  	s8 =	sadd.s32 $0x326E00, s0;
	s11 =	sshll.u32 s9, $0x1;
	s9 =	sadd.s32 $0x187C00, s0  }
0x7: {  	_ =	strace $0x8000004A;
	s10 =	ssub.s32 $0x2, s4;
	s4 =	sor.u32 s4, s11  }
0x8: {  	s22 =	sshrl.u32 s10, $0x1;
	s23 =	ssub.s32 $0xC34, s4;
	s11 =	sshll.u32 s4, $0x8  }
0x9: {  	s16 =	sshll.u32 s4, $0xB;
	s19 =	sshll.u32 s4, $0xE;
	s12 =	sadd.s32 s5, s11  }
0xa: {  	s4 =	simm.s32 $0x0;
	s24 =	sadd.s32 s6, s11;
	[dreg:$0x3] =	wrdreg s12  }
0xb: {  	s0 =	ssub.s32 s10, s22;
	s25 =	sadd.s32 s7, s11;
	[dreg:$0x4] =	wrdreg s24  }
0xc: {  	s10 =	sshrl.u32 s23, $0x5;
	s26 =	sadd.s32 s8, s11;
	[dreg:$0x5] =	wrdreg s25  }
0xd: {  	s28 =	sor.u32 $0x2000, s11;
	s11 =	sadd.s32 s9, s11;
	[dreg:$0x6] =	wrdreg s26  }
0xe: {  	s22 =	simm.s32 $0x1;
	[dreg:$0x7] =	wrdreg s11;
	s29 =	sadd.s32 s5, s28  }
0xf: {  	v0 =	vlaneseq.u32;
	s23 =	simm.s32 $0x800;
	s30 =	sadd.s32 s6, s28;
	[dreg:$0x8] =	wrdreg s29  }
0x10: {  	v0 =	vmul.u32 $0x8, v0;
	s20 =	smax.u32 s0, $0x1;
	s0 =	simm.s32 $0x4;
	[dreg:$0x9] =	wrdreg s30  }
.LBB2_1:
0x11: {  	s11 =	rddreg [dreg:$0x3]  }
0x12: {  	[tilespmem:s2], [sflag:$0x1] =	stream.linear.gather [hbm4b:s11+s2], $0x800, $0x38;
	[tilespmem:$0x1D000] =	vst v63  }
0x13: {  	s13 =	rddreg [dreg:$0x4];
	s12 =	simm.s32 $0x1000  }
0x14: {  	[tilespmem:s12], [sflag:$0x1] =	stream.linear.gather [hbm4b:s13+s2], $0x800, $0x38;
	[tilespmem:$0x1D000] =	vst v63  }
0x15: {  	_ =	swait.ge [sflag:s22], $0x800  }
0x16: {  	[sflag:s22] =	ssyncset.done $0x0  }
0x17: {  	[sflag:s22] =	ssyncadd.s32 $0xFFFFF800  }
0x18: {  	_ =	swait.ge [sflag:s22], $0x800  }
0x19: {  	[sflag:s22] =	ssyncset.done $0x0  }
0x1a: {  	s14 =	simm.s32 $0x2000;
	[sflag:s22] =	ssyncadd.s32 $0xFFFFF800  }
0x1b: {  	[tilespmem:s14], [sflag:$0x2] =	stream.indirect.gather [hbm4b:s3+s23], $0x8, s2, s23, $0xb8;
	[tilespmem:$0x1D000] =	vst v63  }
0x1c: {  	s15 =	simm.s32 $0xA000  }
0x1d: {  	[tilespmem:s15], [sflag:$0x2] =	stream.indirect.gather [hbm4b:s3+s23], $0x8, s12, s23, $0xb8;
	[tilespmem:$0x1D000] =	vst v63  }
0x1e: {  	s18 =	simm.s32 $0x12000;
	s17 =	rddreg [dreg:$0x5]  }
0x1f: {  	[tilespmem:s18], [sflag:$0x3] =	stream.linear.gather [hbm4b:s17+s2], $0x800, $0x38;
	[tilespmem:$0x1D000] =	vst v63  }
0x20: {  	s24 =	simm.s32 $0x13000;
	s21 =	rddreg [dreg:$0x6]  }
0x21: {  	[tilespmem:s24], [sflag:$0x3] =	stream.linear.gather [hbm4b:s21+s2], $0x800, $0x38;
	[tilespmem:$0x1D000] =	vst v63  }
0x22: {  	s26 =	simm.s32 $0x14000;
	s25 =	rddreg [dreg:$0x7]  }
0x23: {  	[tilespmem:s26], [sflag:$0x3] =	stream.linear.gather [hbm4b:s25+s2], $0x800, $0x38;
	[tilespmem:$0x1D000] =	vst v63  }
0x24: {  	s30 =	simm.s32 $0x1800;
	s28 =	rddreg [dreg:$0x8]  }
0x25: {  	[tilespmem:s23], [sflag:$0x1] =	stream.linear.gather [hbm4b:s28+s2], $0x800, $0x38;
	[tilespmem:$0x1D000] =	vst v63  }
0x26: {  	p0 =	por $0x0, $0x0;
	s29 =	rddreg [dreg:$0x9];
	s24 =	simm.s32 $0x0  }
0x27: {  	[tilespmem:s30], [sflag:$0x1] =	stream.linear.gather [hbm4b:s29+s2], $0x800, $0x38;
	[tilespmem:$0x1D000] =	vst v63  }
.LBB2_2:
0x28: {  	p1 =	sge.u32 s24, s10  }
0x29: {  	s11 =	simm.s32 @p1 $0x2  }
0x2a: {  	_ =	swait.ge @p1 [sflag:s11], $0x4000  }
0x2b: {  	[sflag:s11] =	ssyncset.done @p1 $0x0  }
0x2c: {  	[sflag:s11] =	ssyncadd.s32 @p1 $0xFFFFC000  }
0x2d: {  	_ =	swait.ge @p1 [sflag:s11], $0x4000  }
0x2e: {  	[sflag:s11] =	ssyncset.done @p1 $0x0  }
0x2f: {  	[sflag:s11] =	ssyncadd.s32 @p1 $0xFFFFC000;
	s11 =	simm.s32 @!p1 $0x1  }
0x30: {  	_ =	swait.ge @!p1 [sflag:s11], $0x800  }
0x31: {  	[sflag:s11] =	ssyncset.done @!p1 $0x0  }
0x32: {  	[sflag:s11] =	ssyncadd.s32 @!p1 $0xFFFFF800  }
0x33: {  	_ =	swait.ge @!p1 [sflag:s11], $0x800  }
0x34: {  	[sflag:s11] =	ssyncset.done @!p1 $0x0  }
0x35: {  	[sflag:s11] =	ssyncadd.s32 @!p1 $0xFFFFF800;
	s11 =	simm.s32 @!p1 $0x2  }
0x36: {  	_ =	swait.ge @!p1 [sflag:s11], $0x4000  }
0x37: {  	[sflag:s11] =	ssyncset.done @!p1 $0x0  }
0x38: {  	[sflag:s11] =	ssyncadd.s32 @!p1 $0xFFFFC000  }
0x39: {  	s12 =	sand.u32 $0x1, s24;
	_ =	swait.ge @!p1 [sflag:s11], $0x4000  }
0x3a: {  	s13 =	sxor.u32 $0x1, s12;
	[sflag:s11] =	ssyncset.done @!p1 $0x0  }
0x3b: {  	[sflag:s11] =	ssyncadd.s32 @!p1 $0xFFFFC000;
	s11 =	sshll.u32 @!p1 s13, $0xE  }
0x3c: {  	s15 =	simm.s32 @!p1 $0x800;
	s13 =	sshll.u32 @!p1 s13, $0xB;
	s14 =	sor.u32 @!p1 $0x2000, s11  }
0x3d: {  	[tilespmem:s14], [sflag:$0x2] =	stream.indirect.gather @!p1 [hbm4b:s3+s15], $0x8, s13, s15, $0xb8;
	[tilespmem:$0x1D000] =	vst v63  }
0x3e: {  	s11 =	sor.u32 @!p1 $0xA000, s11;
	s14 =	sor.u32 @!p1 $0x1000, s13  }
0x3f: {  	[tilespmem:s11], [sflag:$0x2] =	stream.indirect.gather @!p1 [hbm4b:s3+s15], $0x8, s14, s15, $0xb8;
	[tilespmem:$0x1D000] =	vst v63  }
0x40: {  	s11 =	sadd.s32 $0x2, s24  }
0x41: {  	p2 =	sgt.u32 s11, s10  }
0x42: {  	s11 =	sshll.u32 @!p2 s11, $0x10  }
0x43: {  	s11 =	sor.u32 @!p2 s16, s11  }
0x44: {  	s11 =	sshrl.u32 @!p2 s11, $0x3  }
0x45: {  	s14 =	sshll.u32 @!p2 s12, $0xB;
	s17 =	simm.s32 @!p2 $0x0;
	s15 =	sadd.s32 @!p2 s5, s11  }
0x46: {  	[tilespmem:s14], [sflag:$0x1] =	stream.linear.gather @!p2 [hbm4b:s15+s17], $0x800, $0x38;
	[tilespmem:$0x1D000] =	vst v63  }
0x47: {  	s11 =	sadd.s32 @!p2 s6, s11;
	s14 =	sor.u32 @!p2 $0x1000, s14  }
0x48: {  	[tilespmem:s14], [sflag:$0x1] =	stream.linear.gather @!p2 [hbm4b:s11+s17], $0x800, $0x38;
	[tilespmem:$0x1D000] =	vst v63  }
0x49: {  	_ =	swait.ge [sflag:s31], $0x800  }
0x4a: {  	[sflag:s31] =	ssyncset.done $0x0  }
0x4b: {  	[sflag:s31] =	ssyncadd.s32 $0xFFFFF800  }
0x4c: {  	_ =	swait.ge [sflag:s31], $0x800  }
0x4d: {  	s25 =	sadd.s32 $0x1, s24;
	[sflag:s31] =	ssyncset.done $0x0  }
0x4e: {  	s11 =	sshll.u32 @!p1 s25, $0x10;
	[sflag:s31] =	ssyncadd.s32 $0xFFFFF800  }
0x4f: {  	s11 =	sor.u32 @!p1 s16, s11;
	_ =	swait.ge [sflag:s31], $0x800  }
0x50: {  	s14 =	sor.u32 @!p1 $0x12000, s13;
	s11 =	sshrl.u32 @!p1 s11, $0x3;
	[sflag:s31] =	ssyncset.done $0x0  }
0x51: {  	s17 =	simm.s32 @!p1 $0x0;
	s15 =	sadd.s32 @!p1 s7, s11;
	[sflag:s31] =	ssyncadd.s32 $0xFFFFF800  }
0x52: {  	[tilespmem:s14], [sflag:$0x3] =	stream.linear.gather @!p1 [hbm4b:s15+s17], $0x800, $0x38;
	[tilespmem:$0x1D000] =	vst v63  }
0x53: {  	s14 =	sor.u32 @!p1 $0x13000, s13;
	s15 =	sadd.s32 @!p1 s8, s11  }
0x54: {  	[tilespmem:s14], [sflag:$0x3] =	stream.linear.gather @!p1 [hbm4b:s15+s17], $0x800, $0x38;
	[tilespmem:$0x1D000] =	vst v63  }
0x55: {  	s26 =	simm.s32 $0x0;
	s13 =	sor.u32 @!p1 $0x14000, s13;
	s11 =	sadd.s32 @!p1 s9, s11  }
0x56: {  	[tilespmem:s13], [sflag:$0x3] =	stream.linear.gather @!p1 [hbm4b:s11+s17], $0x800, $0x38;
	[tilespmem:$0x1D000] =	vst v63  }
0x57: {  	v1 =	vmov s26;
	p1 =	seq.s32 s24, $0x0  }
0x58: {  	v1 =	vshll.u32 v1, $0x3;
	s11 =	simm.s32 $0x1;
	s13 =	simm.s32 @!p1 $0x4  }
0x59: {  	v1 =	vor.u32 v0, v1;
	s11 =	simm.s32 @!p0 $0x0;
	_ =	swait.ge @!p1 [sflag:s13], $0x4000  }
0x5a: {  	s17 =	sshll.u32 s11, $0xB;
	[sflag:s13] =	ssyncset.done @!p1 $0x0  }
0x5b: {  	v2 =	vor.u32 $0x1, v1;
	s11 =	sor.u32 $0x12000, s17;
	[sflag:s13] =	ssyncadd.s32 @!p1 $0xFFFFC000  }
0x5c: {  	s12 =	sshll.u32 s12, $0xE;
	s13 =	sor.u32 $0x13000, s17;
	v3 =	vld [tilespmem:s11+$0x0]  }
0x5d: {  	v4 =	vor.u32 $0x2, v1;
	s29 =	sor.u32 $0xA000, s12;
	v5 =	vld [tilespmem:s13+$0x0]  }
0x5e: {  	s30 =	sor.u32 $0x2000, s12;
	v6 =	vld.idx.msk [tilespmem:v1+s29+$0x0], $0xffff  }
0x5f: {  	v1 =	vld.idx.msk [tilespmem:v1+s30+$0x0], $0xffff  }
0x60: {  	v7 =	vld.idx.msk [tilespmem:v2+s29+$0x0], $0xffff  }
0x61: {  	v2 =	vld.idx.msk [tilespmem:v2+s30+$0x0], $0xffff  }
0x62: {  	s15 =	sor.u32 $0x14000, s17;
	v8 =	vld.idx.msk [tilespmem:v4+s29+$0x0], $0xffff  }
0x63: {  	v9 =	vld [tilespmem:s15+$0x0];
	_ =	sdelay $0x1  }
0x64: {  	v4 =	vld.idx.msk [tilespmem:v4+s30+$0x0], $0xffff;
	v3 =	vadd.f32 v3, v6  }
0x65: {  	v5 =	vadd.f32 v5, v7  }
0x66: {  	v1 =	vsub.f32 v3, v1  }
0x67: {  	v2 =	vsub.f32 v5, v2;
	v3 =	vadd.f32 v9, v8;
	_ =	sdelay $0x1  }
0x68: {  	v3 =	vsub.f32 v3, v4;
	v1 =	vmul.f32 v1, v1;
	v2 =	vmul.f32 v2, v2;
	_ =	sdelay $0x1  }
0x69: {  	v1 =	vadd.f32 v2, v1;
	v2 =	vmul.f32 v3, v3;
	_ =	sdelay $0x1  }
0x6a: {  	v1 =	vadd.f32 v2, v1;
	_ =	sdelay $0x1  }
0x6b: {  	v2 =	vshrl.u32 v1, $0x1;
	v3 =	vmul.f32 $5.000000000e-01, v1  }
0x6c: {  	v2 =	vsub.s32 $0x5F3759DF, v2  }
0x6d: {  	v4 =	vmul.f32 v2, v3;
	_ =	sdelay $0x1  }
0x6e: {  	v4 =	vmul.f32 v2, v4;
	_ =	sdelay $0x1  }
0x6f: {  	v4 =	vsub.f32 $1.500000000e+00, v4;
	_ =	sdelay $0x1  }
0x70: {  	v2 =	vmul.f32 v2, v4;
	_ =	sdelay $0x1  }
0x71: {  	v3 =	vmul.f32 v2, v3;
	_ =	sdelay $0x1  }
0x72: {  	v3 =	vmul.f32 v3, v2;
	_ =	sdelay $0x1  }
0x73: {  	v3 =	vsub.f32 $1.500000000e+00, v3;
	_ =	sdelay $0x1  }
0x74: {  	v2 =	vmul.f32 v3, v2;
	_ =	sdelay $0x1  }
0x75: {  	v3 =	vmul.f32 v2, v1;
	_ =	sdelay $0x1  }
0x76: {  	v3 =	vmul.f32 $1.666666720e-01, v3;
	_ =	sdelay $0x1  }
0x77: {  	v3 =	vmin.f32 v3, $1.000000000e+00  }
0x78: {  	v4 =	vmul.f32 $1.570796370e+00, v3;
	_ =	sdelay $0x1  }
0x79: {  	v5 =	vmul.f32 v4, v4;
	_ =	sdelay $0x1  }
0x7a: {  	v53 =	vmul.f32 $2.755731880e-06, v5;
	_ =	sdelay $0x1  }
0x7b: {  	v6 =	vadd.f32 $-1.984127010e-04, v53;
	_ =	sdelay $0x1  }
0x7c: {  	v54 =	vmul.f32 $-2.755732000e-07, v5;
	v6 =	vmul.f32 v6, v5;
	_ =	sdelay $0x1  }
0x7d: {  	v7 =	vadd.f32 $2.480158760e-05, v54;
	v6 =	vadd.f32 $8.333333770e-03, v6;
	_ =	sdelay $0x1  }
0x7e: {  	v7 =	vmul.f32 v7, v5;
	v6 =	vmul.f32 v6, v5;
	_ =	sdelay $0x1  }
0x7f: {  	v7 =	vadd.f32 $-1.388888920e-03, v7;
	v6 =	vadd.f32 $-1.666666720e-01, v6;
	_ =	sdelay $0x1  }
0x80: {  	v7 =	vmul.f32 v7, v5;
	v6 =	vmul.f32 v6, v5;
	_ =	sdelay $0x1  }
0x81: {  	v7 =	vadd.f32 $4.166666790e-02, v7;
	v6 =	vadd.f32 $1.000000000e+00, v6;
	_ =	sdelay $0x1  }
0x82: {  	v7 =	vmul.f32 v7, v5;
	v4 =	vmul.f32 v6, v4;
	_ =	sdelay $0x1  }
0x83: {  	v55 =	vadd.f32 $-5.000000000e-01, v7;
	v56 =	vadd.f32 v4, v4;
	_ =	sdelay $0x1  }
0x84: {  	v5 =	vmul.f32 v55, v5;
	v4 =	vmul.f32 v56, v4;
	_ =	sdelay $0x1  }
0x85: {  	v5 =	vadd.f32 $1.000000000e+00, v5;
	v4 =	vsub.f32 $1.000000000e+00, v4;
	_ =	sdelay $0x1  }
0x86: {  	v5 =	vmul.f32 v5, v56;
	v4 =	vadd.f32 v4, v4  }
0x87: {  	v57 =	vmul.f32 $-2.100000000e+01, v3  }
0x88: {  	v7 =	vmul.f32 v4, v5  }
0x89: {  	v58 =	vmul.f32 v3, v3;
	v6 =	vadd.f32 $4.800000000e+01, v57  }
0x8a: {  	v59 =	vmul.f32 v7, v4  }
0x8b: {  	v10 =	vmul.f32 v58, v58;
	v3 =	vmul.f32 v6, v3  }
0x8c: {  	v60 =	vsub.f32 v59, v5  }
0x8d: {  	v8 =	vmul.f32 v10, v58;
	v3 =	vadd.f32 $-2.800000000e+01, v3  }
0x8e: {  	v9 =	vmul.f32 v60, v4  }
0x8f: {  	v3 =	vmul.f32 v3, v8  }
0x90: {  	v61 =	vsub.f32 v9, v7  }
0x91: {  	v3 =	vadd.f32 $1.000000000e+00, v3  }
0x92: {  	v9 =	vmul.f32 v61, v4  }
0x93: {  	v2 =	vmul.f32 v3, v2  }
0x94: {  	v3 =	vsub.f32 v9, v60  }
0x95: {  	v2 =	vmul.f32 $3.333333430e-01, v2  }
0x96: {  	vm0 =	vlt.f32 v1, $3.600000000e+01;
	v9 =	vmul.f32 v3, v4  }
0x97: {  	s18 =	sand.u32 $0x3C00, s26;
	s28 =	sadd.s32 $0x15000, s12;
	v1 =	vnsel vm0, $0x0, v2  }
0x98: {  	s21 =	sand.u32 $0x70, s26;
	s12 =	sadd.s32 s18, s28;
	v2 =	vmul.f32 v60, v1;
	v62 =	vsub.f32 v9, v61  }
0x99: {  	s17 =	sadd.s32 s21, s12;
	v5 =	vmul.f32 v5, v1  }
0x9a: {  	v7 =	vmul.f32 v7, v1;
	[tilespmem:s17+$0x100] =	vst v2;
	v2 =	vmul.f32 v62, v4  }
0x9b: {  	[tilespmem:s17+$0x0] =	vst v5;
	v63 =	vmul.f32 v61, v1  }
0x9c: {  	[tilespmem:s17+$0x80] =	vst v7;
	v5 =	vmul.f32 v3, v1;
	v2 =	vsub.f32 v2, v3  }
0x9d: {  	s12 =	simm.s32 $0x10;
	[tilespmem:s17+$0x180] =	vst v63;
	v3 =	vmul.f32 v62, v1  }
0x9e: {  	[tilespmem:s17+$0x200] =	vst v5;
	v5 =	vmul.f32 v2, v1;
	v2 =	vmul.f32 v2, v4;
	v4 =	vmov s12  }
0x9f: {  	[tilespmem:s17+$0x280] =	vst v3;
	v4 =	vshll.u32 v4, $0x3  }
0xa0: {  	s14 =	simm.s32 $0x20;
	s21 =	sadd.s32 $0x10, s15;
	s13 =	sadd.s32 $0x10, s13;
	[tilespmem:s17+$0x300] =	vst v5;
	v3 =	vsub.f32 v2, v62;
	v2 =	vor.u32 v0, v4  }
.LBB2_3:
0xa1: {  	s26 =	sadd.s32 $0x80, s26  }
0xa2: {  	v4 =	vor.u32 $0x1, v2;
	v1 =	vmul.f32 v3, v1;
	s11 =	sadd.s32 $0x10, s11;
	s15 =	smov.u32 s14;
	s18 =	sadd.s32 $0x10, s14  }
0xa3: {  	p1 =	sne.s32 s14, $0x7F0  }
0xa4: {  	v3 =	vor.u32 $0x2, v2;
	[tilespmem:s17+$0x380] =	vst v1  }
0xa5: {  	v1 =	vld [tilespmem:s11+$0x0]  }
0xa6: {  	v5 =	vld [tilespmem:s13+$0x0]  }
0xa7: {  	v6 =	vld.idx.msk [tilespmem:v2+s29+$0x0], $0xffff  }
0xa8: {  	v2 =	vld.idx.msk [tilespmem:v2+s30+$0x0], $0xffff  }
0xa9: {  	v7 =	vld.idx.msk [tilespmem:v4+s29+$0x0], $0xffff  }
0xaa: {  	v4 =	vld.idx.msk [tilespmem:v4+s30+$0x0], $0xffff  }
0xab: {  	v8 =	vld.idx.msk [tilespmem:v3+s29+$0x0], $0xffff  }
0xac: {  	v9 =	vld [tilespmem:s21+$0x0]  }
0xad: {  	v1 =	vadd.f32 v1, v6;
	v3 =	vld.idx.msk [tilespmem:v3+s30+$0x0], $0xffff;
	_ =	sdelay $0x1  }
0xae: {  	v1 =	vsub.f32 v1, v2;
	v2 =	vadd.f32 v5, v7;
	_ =	sdelay $0x1  }
0xaf: {  	v2 =	vsub.f32 v2, v4;
	v4 =	vadd.f32 v9, v8;
	_ =	sdelay $0x1  }
0xb0: {  	v1 =	vmul.f32 v1, v1;
	v2 =	vmul.f32 v2, v2;
	v3 =	vsub.f32 v4, v3;
	_ =	sdelay $0x1  }
0xb1: {  	v1 =	vadd.f32 v2, v1;
	v2 =	vmul.f32 v3, v3;
	_ =	sdelay $0x1  }
0xb2: {  	v1 =	vadd.f32 v2, v1;
	_ =	sdelay $0x1  }
0xb3: {  	v2 =	vshrl.u32 v1, $0x1;
	v3 =	vmul.f32 $5.000000000e-01, v1  }
0xb4: {  	v2 =	vsub.s32 $0x5F3759DF, v2  }
0xb5: {  	v4 =	vmul.f32 v2, v3;
	_ =	sdelay $0x1  }
0xb6: {  	v4 =	vmul.f32 v2, v4;
	_ =	sdelay $0x1  }
0xb7: {  	v4 =	vsub.f32 $1.500000000e+00, v4;
	_ =	sdelay $0x1  }
0xb8: {  	v2 =	vmul.f32 v2, v4;
	_ =	sdelay $0x1  }
0xb9: {  	v3 =	vmul.f32 v2, v3;
	_ =	sdelay $0x1  }
0xba: {  	v3 =	vmul.f32 v3, v2;
	_ =	sdelay $0x1  }
0xbb: {  	v3 =	vsub.f32 $1.500000000e+00, v3;
	_ =	sdelay $0x1  }
0xbc: {  	v2 =	vmul.f32 v3, v2;
	_ =	sdelay $0x1  }
0xbd: {  	v3 =	vmul.f32 v2, v1;
	_ =	sdelay $0x1  }
0xbe: {  	v3 =	vmul.f32 $1.666666720e-01, v3;
	_ =	sdelay $0x1  }
0xbf: {  	v3 =	vmin.f32 v3, $1.000000000e+00  }
0xc0: {  	v4 =	vmul.f32 $1.570796370e+00, v3;
	v5 =	vmul.f32 $-2.100000000e+01, v3;
	_ =	sdelay $0x1  }
0xc1: {  	v6 =	vmul.f32 v4, v4;
	v5 =	vadd.f32 $4.800000000e+01, v5  }
0xc2: {  	v7 =	vmul.f32 v3, v3  }
0xc3: {  	v8 =	vmul.f32 $2.755731880e-06, v6;
	v9 =	vmul.f32 $-2.755732000e-07, v6  }
0xc4: {  	v10 =	vmul.f32 v7, v7;
	v3 =	vmul.f32 v5, v3  }
0xc5: {  	v5 =	vadd.f32 $-1.984127010e-04, v8;
	v8 =	vadd.f32 $2.480158760e-05, v9  }
0xc6: {  	v7 =	vmul.f32 v10, v7;
	v3 =	vadd.f32 $-2.800000000e+01, v3  }
0xc7: {  	v5 =	vmul.f32 v5, v6;
	v8 =	vmul.f32 v8, v6  }
0xc8: {  	v3 =	vmul.f32 v3, v7  }
0xc9: {  	v5 =	vadd.f32 $8.333333770e-03, v5;
	v7 =	vadd.f32 $-1.388888920e-03, v8  }
0xca: {  	v3 =	vadd.f32 $1.000000000e+00, v3  }
0xcb: {  	v5 =	vmul.f32 v5, v6;
	v7 =	vmul.f32 v7, v6  }
0xcc: {  	v2 =	vmul.f32 v3, v2  }
0xcd: {  	v3 =	vadd.f32 $-1.666666720e-01, v5;
	v5 =	vadd.f32 $4.166666790e-02, v7;
	_ =	sdelay $0x1  }
0xce: {  	v3 =	vmul.f32 v3, v6;
	v5 =	vmul.f32 v5, v6;
	_ =	sdelay $0x1  }
0xcf: {  	v3 =	vadd.f32 $1.000000000e+00, v3;
	v5 =	vadd.f32 $-5.000000000e-01, v5;
	_ =	sdelay $0x1  }
0xd0: {  	v3 =	vmul.f32 v3, v4;
	v4 =	vmul.f32 v5, v6;
	_ =	sdelay $0x1  }
0xd1: {  	v4 =	vadd.f32 $1.000000000e+00, v4;
	v5 =	vadd.f32 v3, v3;
	_ =	sdelay $0x1  }
0xd2: {  	v3 =	vmul.f32 v5, v3;
	_ =	sdelay $0x1  }
0xd3: {  	v3 =	vsub.f32 $1.000000000e+00, v3;
	_ =	sdelay $0x1  }
0xd4: {  	v4 =	vmul.f32 v4, v5;
	v3 =	vadd.f32 v3, v3;
	_ =	sdelay $0x1  }
0xd5: {  	v5 =	vmul.f32 v3, v4;
	_ =	sdelay $0x1  }
0xd6: {  	v6 =	vmul.f32 v5, v3  }
0xd7: {  	v2 =	vmul.f32 $3.333333430e-01, v2  }
0xd8: {  	vm0 =	vlt.f32 v1, $3.600000000e+01;
	v6 =	vsub.f32 v6, v4  }
0xd9: {  	s14 =	sand.u32 $0x3C00, s26;
	v1 =	vnsel vm0, $0x0, v2  }
0xda: {  	s17 =	sand.u32 $0x70, s12;
	s14 =	sadd.s32 s14, s28;
	s12 =	smov.u32 s15;
	v2 =	vmul.f32 v6, v1;
	v7 =	vmul.f32 v6, v3  }
0xdb: {  	s17 =	sadd.s32 s17, s14;
	v8 =	vmul.f32 v5, v1;
	v4 =	vmul.f32 v4, v1  }
0xdc: {  	[tilespmem:s17+$0x100] =	vst v2;
	v2 =	vsub.f32 v7, v5  }
0xdd: {  	[tilespmem:s17+$0x80] =	vst v8  }
0xde: {  	[tilespmem:s17+$0x0] =	vst v4;
	v4 =	vmul.f32 v2, v1;
	v5 =	vmul.f32 v2, v3;
	_ =	sdelay $0x1  }
0xdf: {  	[tilespmem:s17+$0x180] =	vst v4;
	v4 =	vsub.f32 v5, v6;
	_ =	sdelay $0x1  }
0xe0: {  	v5 =	vmul.f32 v4, v1;
	v6 =	vmul.f32 v4, v3;
	_ =	sdelay $0x1  }
0xe1: {  	[tilespmem:s17+$0x200] =	vst v5;
	v2 =	vsub.f32 v6, v2;
	_ =	sdelay $0x1  }
0xe2: {  	v5 =	vmul.f32 v2, v1;
	v6 =	vmul.f32 v2, v3;
	_ =	sdelay $0x1  }
0xe3: {  	[tilespmem:s17+$0x280] =	vst v5;
	v4 =	vsub.f32 v6, v4  }
.Ltmp0:
0xe4: {  	(pc) =	sbr.rel @p1 .LBB2_3-.Ltmp0, $4  }
0xe5: {  	v5 =	vmul.f32 v4, v1;
	v3 =	vmul.f32 v4, v3  }
0xe6: {  	v4 =	vmov s12  }
0xe7: {  	v4 =	vshll.u32 v4, $0x3;
	[tilespmem:s17+$0x300] =	vst v5;
	v3 =	vsub.f32 v3, v2  }
0xe8: {  	s14 =	smov.u32 s18;
	s13 =	sadd.s32 $0x10, s13;
	s21 =	sadd.s32 $0x10, s21;
	v2 =	vor.u32 v0, v4  }
0xe9: {  	v1 =	vmul.f32 v3, v1;
	_ =	sdelay $0x1  }
0xea: {  	s11 =	sadd.s32 $0x10, s11;
	[tilespmem:s17+$0x380] =	vst v1  }
0xeb: {  	v3 =	vor.u32 $0x1, v2;
	v1 =	vld [tilespmem:s11+$0x0]  }
0xec: {  	v5 =	vld [tilespmem:s13+$0x0]  }
0xed: {  	v4 =	vor.u32 $0x2, v2;
	v6 =	vld.idx.msk [tilespmem:v2+s29+$0x0], $0xffff  }
0xee: {  	v2 =	vld.idx.msk [tilespmem:v2+s30+$0x0], $0xffff  }
0xef: {  	v9 =	vld [tilespmem:s21+$0x0]  }
0xf0: {  	v7 =	vld.idx.msk [tilespmem:v3+s29+$0x0], $0xffff  }
0xf1: {  	v3 =	vld.idx.msk [tilespmem:v3+s30+$0x0], $0xffff  }
0xf2: {  	v8 =	vld.idx.msk [tilespmem:v4+s29+$0x0], $0xffff;
	_ =	sdelay $0x1  }
0xf3: {  	v4 =	vld.idx.msk [tilespmem:v4+s30+$0x0], $0xffff;
	v1 =	vadd.f32 v1, v6  }
0xf4: {  	v5 =	vadd.f32 v5, v7  }
0xf5: {  	v1 =	vsub.f32 v1, v2  }
0xf6: {  	v2 =	vsub.f32 v5, v3;
	v3 =	vadd.f32 v9, v8;
	_ =	sdelay $0x1  }
0xf7: {  	v1 =	vmul.f32 v1, v1;
	v3 =	vsub.f32 v3, v4;
	v2 =	vmul.f32 v2, v2;
	_ =	sdelay $0x1  }
0xf8: {  	v1 =	vadd.f32 v2, v1;
	v2 =	vmul.f32 v3, v3;
	_ =	sdelay $0x1  }
0xf9: {  	v1 =	vadd.f32 v2, v1;
	_ =	sdelay $0x1  }
0xfa: {  	v2 =	vshrl.u32 v1, $0x1;
	v3 =	vmul.f32 $5.000000000e-01, v1  }
0xfb: {  	v2 =	vsub.s32 $0x5F3759DF, v2  }
0xfc: {  	v48 =	vmul.f32 v2, v3;
	_ =	sdelay $0x1  }
0xfd: {  	v4 =	vmul.f32 v2, v48;
	_ =	sdelay $0x1  }
0xfe: {  	v4 =	vsub.f32 $1.500000000e+00, v4;
	_ =	sdelay $0x1  }
0xff: {  	v2 =	vmul.f32 v2, v4;
	_ =	sdelay $0x1  }
0x100: {  	v3 =	vmul.f32 v2, v3;
	_ =	sdelay $0x1  }
0x101: {  	v3 =	vmul.f32 v3, v2;
	_ =	sdelay $0x1  }
0x102: {  	v3 =	vsub.f32 $1.500000000e+00, v3;
	_ =	sdelay $0x1  }
0x103: {  	v2 =	vmul.f32 v3, v2;
	_ =	sdelay $0x1  }
0x104: {  	v3 =	vmul.f32 v2, v1;
	_ =	sdelay $0x1  }
0x105: {  	v3 =	vmul.f32 $1.666666720e-01, v3;
	_ =	sdelay $0x1  }
0x106: {  	v3 =	vmin.f32 v3, $1.000000000e+00  }
0x107: {  	v49 =	vmul.f32 $1.570796370e+00, v3;
	_ =	sdelay $0x1  }
0x108: {  	v50 =	vmul.f32 v49, v49;
	_ =	sdelay $0x1  }
0x109: {  	v51 =	vmul.f32 $2.755731880e-06, v50;
	_ =	sdelay $0x1  }
0x10a: {  	v6 =	vadd.f32 $-1.984127010e-04, v51;
	_ =	sdelay $0x1  }
0x10b: {  	v52 =	vmul.f32 $-2.755732000e-07, v50;
	v6 =	vmul.f32 v6, v50;
	_ =	sdelay $0x1  }
0x10c: {  	v7 =	vadd.f32 $2.480158760e-05, v52;
	v6 =	vadd.f32 $8.333333770e-03, v6;
	_ =	sdelay $0x1  }
0x10d: {  	v7 =	vmul.f32 v7, v50;
	v6 =	vmul.f32 v6, v50;
	_ =	sdelay $0x1  }
0x10e: {  	v7 =	vadd.f32 $-1.388888920e-03, v7;
	v6 =	vadd.f32 $-1.666666720e-01, v6;
	_ =	sdelay $0x1  }
0x10f: {  	v7 =	vmul.f32 v7, v50;
	v6 =	vmul.f32 v6, v50;
	_ =	sdelay $0x1  }
0x110: {  	v7 =	vadd.f32 $4.166666790e-02, v7;
	v6 =	vadd.f32 $1.000000000e+00, v6;
	_ =	sdelay $0x1  }
0x111: {  	v7 =	vmul.f32 v7, v50;
	v4 =	vmul.f32 v6, v49;
	_ =	sdelay $0x1  }
0x112: {  	v53 =	vadd.f32 $-5.000000000e-01, v7;
	v54 =	vadd.f32 v4, v4;
	_ =	sdelay $0x1  }
0x113: {  	v5 =	vmul.f32 v53, v50;
	v4 =	vmul.f32 v54, v4;
	_ =	sdelay $0x1  }
0x114: {  	v5 =	vadd.f32 $1.000000000e+00, v5;
	v4 =	vsub.f32 $1.000000000e+00, v4;
	_ =	sdelay $0x1  }
0x115: {  	v5 =	vmul.f32 v5, v54;
	v4 =	vadd.f32 v4, v4;
	_ =	sdelay $0x1  }
0x116: {  	v55 =	vmul.f32 v4, v5;
	_ =	sdelay $0x1  }
0x117: {  	v56 =	vmul.f32 $-2.100000000e+01, v3;
	v57 =	vmul.f32 v55, v4  }
0x118: {  	v58 =	vmul.f32 v3, v3  }
0x119: {  	v7 =	vadd.f32 $4.800000000e+01, v56;
	v8 =	vsub.f32 v57, v5  }
0x11a: {  	v10 =	vmul.f32 v58, v58  }
0x11b: {  	v3 =	vmul.f32 v7, v3;
	v59 =	vmul.f32 v8, v4;
	_ =	sdelay $0x1  }
0x11c: {  	v9 =	vmul.f32 v10, v58;
	v3 =	vadd.f32 $-2.800000000e+01, v3;
	v7 =	vsub.f32 v59, v55;
	_ =	sdelay $0x1  }
0x11d: {  	v3 =	vmul.f32 v3, v9;
	v60 =	vmul.f32 v7, v4;
	_ =	sdelay $0x1  }
0x11e: {  	v3 =	vadd.f32 $1.000000000e+00, v3;
	v9 =	vsub.f32 v60, v8;
	_ =	sdelay $0x1  }
0x11f: {  	v2 =	vmul.f32 v3, v2;
	v3 =	vmul.f32 v9, v4;
	_ =	sdelay $0x1  }
0x120: {  	v2 =	vmul.f32 $3.333333430e-01, v2;
	v3 =	vsub.f32 v3, v7  }
0x121: {  	s26 =	sadd.s32 $0x80, s26;
	vm0 =	vlt.f32 v1, $3.600000000e+01  }
0x122: {  	s11 =	sand.u32 $0x3C00, s26;
	v1 =	vnsel vm0, $0x0, v2;
	v2 =	vmul.f32 v3, v4  }
0x123: {  	s12 =	sand.u32 $0x70, s12;
	s11 =	sadd.s32 s11, s28;
	v6 =	vmul.f32 v55, v1  }
0x124: {  	s11 =	sadd.s32 s12, s11;
	v5 =	vmul.f32 v5, v1;
	v2 =	vsub.f32 v2, v9  }
0x125: {  	[tilespmem:s11+$0x80] =	vst v6;
	v61 =	vmul.f32 v7, v1  }
0x126: {  	[tilespmem:s11+$0x0] =	vst v5;
	v8 =	vmul.f32 v8, v1;
	v4 =	vmul.f32 v2, v4  }
0x127: {  	[tilespmem:s11+$0x180] =	vst v61;
	v62 =	vmul.f32 v9, v1  }
0x128: {  	p1 =	sne.s32 s24, s10;
	[tilespmem:s11+$0x100] =	vst v8;
	v63 =	vmul.f32 v3, v1;
	v3 =	vsub.f32 v4, v3  }
.Ltmp1:
0x129: {  	s29 =	sshll.u32 s24, $0x13;
	[tilespmem:s11+$0x200] =	vst v62;
	v2 =	vmul.f32 v2, v1;
	(pc) =	sbr.rel @p1 .LBB2_2-.Ltmp1, $4  }
0x12a: {  	s12 =	sor.u32 s19, s29;
	[tilespmem:s11+$0x280] =	vst v63;
	v1 =	vmul.f32 v3, v1  }
0x12b: {  	s12 =	sshrl.u32 s12, $0x3;
	[tilespmem:s11+$0x300] =	vst v2  }
0x12c: {  	p0 =	por !p0, !p0;
	s24 =	smov.u32 s25;
	s30 =	sadd.s32 s1, s12;
	[tilespmem:s11+$0x380] =	vst v1  }
0x12d: {  	[hbm4b:s30+s2] =	stream.linear.scatter [tilespmem:s28], [sflag:$0x4], $0x4000, $0x38;
	[tilespmem:$0x1D000] =	vst v63  }
0x12e: {  	s4 =	sadd.s32 $0x1, s4  }
0x12f: {  	p0 =	sne.s32 s4, s20  }
.Ltmp2:
0x130: {  	_ = 	snop;
	(pc) =	sbr.rel @p0 .LBB2_1-.Ltmp2, $4  }
0x131: {  	_ = 	snop  }
0x132: {  	_ =	swait.ge [sflag:s0], $0x4000  }
0x133: {  	[sflag:s0] =	ssyncset.done $0x0  }
0x134: {  	[sflag:s0] =	ssyncadd.s32 $0xFFFFC000  }
0x135: {  	_ =	sfence.sel $0x180000  }
0x136: {  	[bflag:$0x0] =	sbarrier.arrive $0xFFFF  }
0x137: {  	_ =	strace $0x9000004A  }
0x138: {  	s0 =	stileid.u32;
	[bflag:$0x2] =	sbarrier.arrive $0xFFFF  }
0x139: {  	p0 =	sne.s32 s0, $0x0;
	s0 =	rddreg [dreg:$0x2]  }
0x13a: {  	s0 =	sadd.s32 @!p0 $0x100000, s0  }
0x13b: {  	[sflag:s0] =	ssyncadd.tile.s32 @!p0 $0x1;
	_ =	shalt  }
.Lfunc_end2:
_tile_overlayer_lowered:
.L_overlay_start_2:
0x13c: {  	(tag) =	ssettag $0x2  }
0x13d: {  	s0 =	rddreg [dreg:$0x0];
	s2 =	stileid.u32  }
0x13e: {  	s1 =	rddreg [dreg:$0x1];
	p0 =	sne.s32 s2, $0x0  }
0x13f: {  	s3 =	rddreg [dreg:$0x2];
	[bflag:$0x3] =	sbarrier.arrive $0xFFFF;
	s2 =	simm.s32 @!p0 $0x1C05  }
0x140: {  	[timem:s3], [sflag:s2] =	dma.local @!p0 [hbm:s0], s1  }
0x141: {  	s0 =	simm.s32 @!p0 $0x5  }
0x142: {  	_ =	swait.ge @!p0 [sflag:s0], s1  }
0x143: {  	s1 =	ssub.s32 @!p0 $0x0, s1;
	[sflag:s0] =	ssyncset.done @!p0 $0x0  }
0x144: {  	[sflag:s0] =	ssyncadd.s32 @!p0 s1  }
0x145: {  	[bflag:$0x3] =	sbarrier.arrive $0xFFFF  }
0x146: {  	_ =	shalt  }

</sc_bundles>
